<compile_context>
chip_gen: v7x
topology: tpu7x:2x2x1
jax: 0.10.2.dev20260603
libtpu: 0.0.44.dev20260713+nightly
codegen_flags: <defaults>
</compile_context>

<pallas_src>
import functools

import jax
import jax.numpy as jnp
import numpy as np
from jax import lax
from jax.experimental import pallas as pl
from jax.experimental.pallas import tpu as pltpu
from jax.experimental.pallas import tpu_sc as plsc

_DX = np.float32(0.3)
_DZ = np.float32(20.0)
_OX = np.float32(np.float32(-54.0 + 0.3 / 2.0) - _DX / np.float32(2.0))
_OY = _OX
_OZ = np.float32(np.float32(-10.0 + 20.0 / 2.0) - _DZ / np.float32(2.0))
_NXY = 360
_NVOX = _NXY * _NXY
_NROWS = 131072
_D, _FH, _FW = 30, 32, 88
_NCAM = 6
_PTS_PER_CAM = _D * _FH * _FW
_NPTS = _NCAM * _PTS_PER_CAM
_C = 80

_NTILES = 16
_ROWS_PER_TILE = _NROWS // _NTILES
_PTS_PER_TILE = _NPTS // _NTILES
_SUB = 2112
_NSUB = _PTS_PER_TILE // _SUB
_CC = 8
_NCHUNK = _C // _CC


def _index_kernel(gx_ref, gy_ref, gz_ref, out_ref):
    gx = gx_ref[...]
    gy = gy_ref[...]
    gz = gz_ref[...]
    cxf = jnp.trunc((gx - _OX) / _DX)
    cyf = jnp.trunc((gy - _OY) / _DX)
    czf = jnp.trunc((gz - _OZ) / _DZ)
    cxi = cxf.astype(jnp.int32)
    cyi = cyf.astype(jnp.int32)
    kept = ((cxf >= 0) & (cxf < _NXY) & (cyf >= 0) & (cyf < _NXY)
            & (czf >= 0) & (czf < 1))
    blk = pl.program_id(0) * (792 * 128)
    flat = (blk + jax.lax.broadcasted_iota(jnp.int32, gx.shape, 0) * 128
            + jax.lax.broadcasted_iota(jnp.int32, gx.shape, 1))
    trash = _NVOX + (flat % 1408)
    lin = jnp.where(kept, cxi * _NXY + cyi, trash)
    out_ref[...] = lin


def _compute_indices(img_aug_matrix, camera_intrinsics, camera2lidar,
                     lidar_aug_matrix, frustum):
    B, N = 1, _NCAM
    post_rots = img_aug_matrix[..., :3, :3]
    post_trans = img_aug_matrix[..., :3, 3]
    intrins = camera_intrinsics[..., :3, :3]
    c2l_rots = camera2lidar[..., :3, :3]
    c2l_trans = camera2lidar[..., :3, 3]
    extra_rots = lidar_aug_matrix[..., :3, :3]
    extra_trans = lidar_aug_matrix[..., :3, 3]
    pts = frustum - post_trans.reshape(B, N, 1, 1, 1, 3)
    pts = jnp.matmul(jnp.linalg.inv(post_rots).reshape(B, N, 1, 1, 1, 3, 3),
                     pts[..., None])
    pts = jnp.concatenate([pts[..., :2, :] * pts[..., 2:3, :],
                           pts[..., 2:3, :]], axis=-2)
    combine = jnp.matmul(c2l_rots, jnp.linalg.inv(intrins))
    pts = jnp.matmul(combine.reshape(B, N, 1, 1, 1, 3, 3), pts)[..., 0]
    pts = pts + c2l_trans.reshape(B, N, 1, 1, 1, 3)
    pts = jnp.matmul(extra_rots.reshape(B, 1, 1, 1, 1, 3, 3),
                     pts[..., None])[..., 0]
    geom = pts + extra_trans.reshape(B, 1, 1, 1, 1, 3)
    g = geom.reshape(_NPTS, 3)
    gx = g[:, 0].reshape(3960, 128)
    gy = g[:, 1].reshape(3960, 128)
    gz = g[:, 2].reshape(3960, 128)
    lin = pl.pallas_call(
        _index_kernel,
        grid=(5,),
        in_specs=[pl.BlockSpec((792, 128), lambda n: (n, 0))] * 3,
        out_specs=pl.BlockSpec((792, 128), lambda n: (n, 0)),
        out_shape=jax.ShapeDtypeStruct((3960, 128), jnp.int32),
    )(gx, gy, gz)
    return lin.reshape(_NPTS)


def _scatter_body(lin_hbm, x_hbm, zero_hbm, zero1_hbm, ones_hbm,
                  sums_hbm, cnts_hbm,
                  acc_sh, cnt_sh, idx_v, feat_v, ones_v, zero_v, zero1_v,
                  drain_v):
    c = lax.axis_index("c")
    s = lax.axis_index("s")
    row0 = s * _ROWS_PER_TILE
    pt0 = s * _PTS_PER_TILE

    pltpu.sync_copy(zero_hbm, zero_v)
    pltpu.sync_copy(zero1_hbm, zero1_v)
    pltpu.sync_copy(ones_hbm, ones_v)
    pltpu.sync_copy(zero1_v, cnt_sh.at[pl.ds(row0, _ROWS_PER_TILE)])

    @pl.loop(0, 5)
    def _pass(p):
        chunk = c * 5 + p
        for j in range(8):
            pltpu.sync_copy(zero_v, acc_sh.at[pl.ds(row0 + j * 1024, 1024), :])
        plsc.subcore_barrier()

        @pl.loop(0, _NSUB)
        def _sub(i):
            base = pt0 + i * _SUB
            pltpu.sync_copy(lin_hbm.at[pl.ds(base, _SUB)], idx_v)
            pltpu.sync_copy(x_hbm.at[chunk, pl.ds(base, _SUB), :], feat_v)
            pltpu.sync_copy(feat_v, acc_sh.at[idx_v], add=True)
            do_cnt = (p == 0) & (((i < 8) & (c == 0)) | ((i >= 8) & (c == 1)))

            @pl.when(do_cnt)
            def _():
                pltpu.sync_copy(ones_v, cnt_sh.at[idx_v], add=True)

        plsc.subcore_barrier()
        for j in range(8):
            r = row0 + j * 1024
            pltpu.sync_copy(acc_sh.at[pl.ds(r, 1024), :], drain_v)
            pltpu.sync_copy(drain_v, sums_hbm.at[chunk, pl.ds(r, 1024), :])

        @pl.when(p == 0)
        def _():
            pltpu.sync_copy(cnt_sh.at[pl.ds(row0, _ROWS_PER_TILE)], zero1_v)
            pltpu.sync_copy(zero1_v,
                            cnts_hbm.at[pl.ds(c * _NROWS + row0,
                                              _ROWS_PER_TILE)])


@functools.cache
def _get_scatter_call():
    return functools.partial(
        pl.kernel,
        out_type=[
            jax.ShapeDtypeStruct((_NCHUNK, _NROWS, _CC), jnp.float32),
            jax.ShapeDtypeStruct((2 * _NROWS,), jnp.float32),
        ],
        mesh=plsc.VectorSubcoreMesh(core_axis_name="c", subcore_axis_name="s"),
        compiler_params=pltpu.CompilerParams(use_tc_tiling_on_sc=False),
        scratch_types=[
            pltpu.VMEM_SHARED((_NROWS, _CC), jnp.float32),
            pltpu.VMEM_SHARED((_NROWS,), jnp.float32),
            pltpu.VMEM((_SUB,), jnp.int32),
            pltpu.VMEM((_SUB, _CC), jnp.float32),
            pltpu.VMEM((_SUB,), jnp.float32),
            pltpu.VMEM((1024, _CC), jnp.float32),
            pltpu.VMEM((_ROWS_PER_TILE,), jnp.float32),
            pltpu.VMEM((1024, _CC), jnp.float32),
        ],
    )(_scatter_body)


def _mean_kernel(sums_ref, cnts_ref, out_ref):
    cnt = cnts_ref[0:1, :] + cnts_ref[1:2, :]
    den = jnp.where(cnt > 0.0, cnt, 1.0)
    for k in range(_NCHUNK):
        t = jnp.swapaxes(sums_ref[k], 0, 1)
        out_ref[k * _CC:(k + 1) * _CC, :] = t / den


def _mean_transpose(sums8, cnts2):
    VB = 128
    out = pl.pallas_call(
        _mean_kernel,
        grid=(_NROWS // VB,),
        in_specs=[
            pl.BlockSpec((_NCHUNK, VB, _CC), lambda v: (0, v, 0)),
            pl.BlockSpec((2, VB), lambda v: (0, v)),
        ],
        out_specs=pl.BlockSpec((_C, VB), lambda v: (0, v)),
        out_shape=jax.ShapeDtypeStruct((_C, _NROWS), jnp.float32),
    )(sums8, cnts2)
    return out[:, :_NVOX].reshape(1, _C, _NXY, _NXY)


def kernel(img, points, lidar2camera, lidar2image, camera_intrinsics,
           camera2lidar, img_aug_matrix, lidar_aug_matrix, metas, frustum):
    lin = _compute_indices(img_aug_matrix, camera_intrinsics, camera2lidar,
                           lidar_aug_matrix, frustum)
    x = img.reshape(_NPTS, _NCHUNK, _CC).transpose(1, 0, 2)
    zero, zero1, ones = lax.optimization_barrier(
        (jnp.zeros((1024, _CC), jnp.float32),
         jnp.zeros((_ROWS_PER_TILE,), jnp.float32),
         jnp.ones((_SUB,), jnp.float32)))
    sums8, cntsf = _get_scatter_call()(lin, x, zero, zero1, ones)
    return _mean_transpose(sums8, cntsf.reshape(2, _NROWS))

# --- scband reference (transcript-rebuilt; emitter-appended) ---
"""Pipeline reference for scband-base-view-transform-60129542941 (READ-ONLY COPY).

The authoritative reference and input builder live on the scoring server;
editing this copy changes nothing except your own understanding.
"""

import jax, jax.numpy as jnp
import numpy as np

IMAGE_SIZE = (256, 704)
FEATURE_SIZE = (32, 88)
XBOUND = (-54.0, 54.0, 0.3)
YBOUND = (-54.0, 54.0, 0.3)
ZBOUND = (-10.0, 10.0, 20.0)
DBOUND = (1.0, 60.0, 2.0)
C_OUT = 80
B, N = 1, 6


def gen_dx_bx():
    rows = (XBOUND, YBOUND, ZBOUND)
    dx = jnp.asarray(np.array([r[2] for r in rows], dtype=np.float32))
    bx = jnp.asarray(np.array([r[0] + r[2] / 2.0 for r in rows], dtype=np.float32))
    nx = [int((r[1] - r[0]) / r[2]) for r in rows]
    return dx, bx, nx


def create_frustum():
    iH, iW = IMAGE_SIZE
    fH, fW = FEATURE_SIZE
    ds = np.arange(DBOUND[0], DBOUND[1], DBOUND[2], dtype=np.float32).reshape(-1, 1, 1) * np.ones((1, fH, fW), dtype=np.float32)
    D = ds.shape[0]
    xs = np.linspace(0, iW - 1, fW, dtype=np.float32).reshape(1, 1, fW) * np.ones((D, fH, 1), dtype=np.float32)
    ys = np.linspace(0, iH - 1, fH, dtype=np.float32).reshape(1, fH, 1) * np.ones((D, 1, fW), dtype=np.float32)
    return jnp.asarray(np.stack([xs, ys, ds], axis=-1))


def setup_inputs(seed: int = 0) -> dict:
    key = jax.random.key(seed)
    ks = jax.random.split(key, 8)
    frustum = create_frustum()
    D = frustum.shape[0]
    img = jax.random.normal(ks[0], (B, N, D, FEATURE_SIZE[0], FEATURE_SIZE[1], C_OUT), dtype=jnp.float32)
    points = jax.random.normal(ks[1], (10000, 4), dtype=jnp.float32)
    lidar2camera = jax.random.normal(ks[2], (B, N, 4, 4), dtype=jnp.float32)
    lidar2image = jax.random.normal(ks[3], (B, N, 4, 4), dtype=jnp.float32)
    camera_intrinsics = jax.random.normal(ks[4], (B, N, 4, 4), dtype=jnp.float32)
    camera2lidar = jax.random.normal(ks[5], (B, N, 4, 4), dtype=jnp.float32)
    img_aug_matrix = jax.random.normal(ks[6], (B, N, 4, 4), dtype=jnp.float32)
    lidar_aug_matrix = jax.random.normal(ks[7], (B, 4, 4), dtype=jnp.float32)
    return {"img": img, "points": points, "lidar2camera": lidar2camera, "lidar2image": lidar2image, "camera_intrinsics": camera_intrinsics, "camera2lidar": camera2lidar, "img_aug_matrix": img_aug_matrix, "lidar_aug_matrix": lidar_aug_matrix, "metas": 0, "frustum": frustum}


def get_geometry(frustum, c2l_rots, c2l_trans, intrins, post_rots, post_trans, extra_rots, extra_trans):
    points = frustum - post_trans.reshape(B, N, 1, 1, 1, 3)
    points = jnp.matmul(jnp.linalg.inv(post_rots).reshape(B, N, 1, 1, 1, 3, 3), points[..., None])
    points = jnp.concatenate([points[..., :2, :] * points[..., 2:3, :], points[..., 2:3, :]], axis=-2)
    combine = jnp.matmul(c2l_rots, jnp.linalg.inv(intrins))
    points = jnp.matmul(combine.reshape(B, N, 1, 1, 1, 3, 3), points)[..., 0]
    points = points + c2l_trans.reshape(B, N, 1, 1, 1, 3)
    points = jnp.matmul(extra_rots.reshape(B, 1, 1, 1, 1, 3, 3), points[..., None])[..., 0]
    points = points + extra_trans.reshape(B, 1, 1, 1, 1, 3)
    return points


def bev_pool_mean(geom, x, dx, bx, nx):
    Bx, Nx, D, H, W, C = x.shape
    Nprime = Bx * Nx * D * H * W
    x = x.reshape(Nprime, C)
    # torch .long() truncates toward zero, matched by astype(int)
    coords = ((geom - (bx - dx / 2.0)) / dx).astype(jnp.int32).reshape(Nprime, 3)
    batch_ix = jnp.repeat(jnp.arange(Bx, dtype=jnp.int32), Nprime // Bx)
    kept = (coords[:, 0] >= 0) & (coords[:, 0] < nx[0]) & (coords[:, 1] >= 0) & (coords[:, 1] < nx[1]) & (coords[:, 2] >= 0) & (coords[:, 2] < nx[2])
    cx = jnp.clip(coords[:, 0], 0, nx[0] - 1)
    cy = jnp.clip(coords[:, 1], 0, nx[1] - 1)
    cz = jnp.clip(coords[:, 2], 0, nx[2] - 1)
    lin = ((batch_ix * nx[2] + cz) * nx[0] + cx) * nx[1] + cy
    w = kept.astype(x.dtype)
    sums = jnp.zeros((Bx * nx[2] * nx[0] * nx[1], C), dtype=x.dtype).at[lin].add(x * w[:, None])
    cnts = jnp.zeros((Bx * nx[2] * nx[0] * nx[1],), dtype=x.dtype).at[lin].add(w)
    pooled = sums / jnp.where(cnts > 0, cnts, 1.0)[:, None]
    pooled = pooled.reshape(Bx, nx[2], nx[0], nx[1], C).transpose(0, 4, 1, 2, 3)
    final = jnp.concatenate([pooled[:, :, z] for z in range(nx[2])], axis=1)
    return final


def reference(img, points, lidar2camera, lidar2image, camera_intrinsics, camera2lidar, img_aug_matrix, lidar_aug_matrix, metas, frustum):
    dx, bx, nx = gen_dx_bx()
    intrins = camera_intrinsics[..., :3, :3]
    post_rots = img_aug_matrix[..., :3, :3]
    post_trans = img_aug_matrix[..., :3, 3]
    c2l_rots = camera2lidar[..., :3, :3]
    c2l_trans = camera2lidar[..., :3, 3]
    extra_rots = lidar_aug_matrix[..., :3, :3]
    extra_trans = lidar_aug_matrix[..., :3, 3]
    geom = get_geometry(frustum, c2l_rots, c2l_trans, intrins, post_rots, post_trans, extra_rots, extra_trans)
    x = img  # get_cam_feats is abstract in BaseViewTransform; identity assumed (img already in (B,N,D,fH,fW,C) layout)
    return bev_pool_mean(geom, x, dx, bx, nx)

if __name__ == "__main__":
    import jax
    _d = setup_inputs()
    print(jax.jit(kernel)(*tuple(_d.values())))

</pallas_src>

<mosaic_0001>
#map = affine_map<(d0, d1) -> (0)>
#map1 = affine_map<(d0, d1) -> (0, 0, 0)>
#map2 = affine_map<(d0, d1) -> (0, 0)>
module attributes {stable_mosaic.version = 14 : i64} {
  func.func @_scatter_body(%arg0: i32, %arg1: i32, %arg2: memref<506880xi32, #tpu.memory_space<hbm>>, %arg3: memref<10x506880x8xf32, #tpu.memory_space<hbm>>, %arg4: memref<1024x8xf32, #tpu.memory_space<hbm>>, %arg5: memref<8192xf32, #tpu.memory_space<hbm>>, %arg6: memref<2112xf32, #tpu.memory_space<hbm>>, %arg7: memref<10x131072x8xf32, #tpu.memory_space<hbm>>, %arg8: memref<262144xf32, #tpu.memory_space<hbm>>, %arg9: memref<131072x8xf32, #tpu.memory_space<vmem_shared>>, %arg10: memref<131072xf32, #tpu.memory_space<vmem_shared>>, %arg11: memref<2112xi32, #tpu.memory_space<vmem>>, %arg12: memref<2112x8xf32, #tpu.memory_space<vmem>>, %arg13: memref<2112xf32, #tpu.memory_space<vmem>>, %arg14: memref<1024x8xf32, #tpu.memory_space<vmem>>, %arg15: memref<8192xf32, #tpu.memory_space<vmem>>, %arg16: memref<1024x8xf32, #tpu.memory_space<vmem>>) attributes {dimension_semantics = [#tpu.dimension_semantics<core_parallel>, #tpu.dimension_semantics<subcore_parallel>], iteration_bounds = array<i64: 2, 16>, scalar_prefetch = 0 : i64, scratch_operands = 8 : i64, tpu.core_type = #tpu.core_type<sc_vector_subcore>, window_params = [{transform_indices = #map}, {transform_indices = #map1}, {transform_indices = #map2}, {transform_indices = #map}, {transform_indices = #map}, {transform_indices = #map1}, {transform_indices = #map}]} {
    %mul3A = arith.constant 8192 : i32
    %mul3A_0 = arith.muli %arg1, %mul3A : i32
    %mul3A_1 = arith.constant 31680 : i32
    %mul3A_2 = arith.muli %arg1, %mul3A_1 : i32
    "tpu.region"() ({
      %run_scoped3A = tpu.sem_alloc : memref<!tpu.dma_semaphore, #tpu.memory_space<semaphore_mem>>
      tpu.enqueue_dma source(%arg4 : memref<1024x8xf32, #tpu.memory_space<hbm>>) target(%arg14 : memref<1024x8xf32, #tpu.memory_space<vmem>>) target_semaphore(%run_scoped3A : memref<!tpu.dma_semaphore, #tpu.memory_space<semaphore_mem>>)
      tpu.wait_dma2 semaphore(%run_scoped3A : memref<!tpu.dma_semaphore, #tpu.memory_space<semaphore_mem>>) src(%arg4 : memref<1024x8xf32, #tpu.memory_space<hbm>>) dst(%arg14 : memref<1024x8xf32, #tpu.memory_space<vmem>>)
      tpu.yield
    }) : () -> ()
    "tpu.region"() ({
      %run_scoped3A = tpu.sem_alloc : memref<!tpu.dma_semaphore, #tpu.memory_space<semaphore_mem>>
      tpu.enqueue_dma source(%arg5 : memref<8192xf32, #tpu.memory_space<hbm>>) target(%arg15 : memref<8192xf32, #tpu.memory_space<vmem>>) target_semaphore(%run_scoped3A : memref<!tpu.dma_semaphore, #tpu.memory_space<semaphore_mem>>)
      tpu.wait_dma2 semaphore(%run_scoped3A : memref<!tpu.dma_semaphore, #tpu.memory_space<semaphore_mem>>) src(%arg5 : memref<8192xf32, #tpu.memory_space<hbm>>) dst(%arg15 : memref<8192xf32, #tpu.memory_space<vmem>>)
      tpu.yield
    }) : () -> ()
    "tpu.region"() ({
      %run_scoped3A = tpu.sem_alloc : memref<!tpu.dma_semaphore, #tpu.memory_space<semaphore_mem>>
      tpu.enqueue_dma source(%arg6 : memref<2112xf32, #tpu.memory_space<hbm>>) target(%arg13 : memref<2112xf32, #tpu.memory_space<vmem>>) target_semaphore(%run_scoped3A : memref<!tpu.dma_semaphore, #tpu.memory_space<semaphore_mem>>)
      tpu.wait_dma2 semaphore(%run_scoped3A : memref<!tpu.dma_semaphore, #tpu.memory_space<semaphore_mem>>) src(%arg6 : memref<2112xf32, #tpu.memory_space<hbm>>) dst(%arg13 : memref<2112xf32, #tpu.memory_space<vmem>>)
      tpu.yield
    }) : () -> ()
    "tpu.region"() ({
      %run_scoped3A = tpu.sem_alloc : memref<!tpu.dma_semaphore, #tpu.memory_space<semaphore_mem>>
      %dma_start3A = tpu.memref_slice %arg10[%mul3A_0] : memref<131072xf32, #tpu.memory_space<vmem_shared>> -> memref<8192xf32, #tpu.memory_space<vmem_shared>>
      %dma_start3A_7 = tpu.memref_slice %arg10[%mul3A_0] : memref<131072xf32, #tpu.memory_space<vmem_shared>> -> memref<8192xf32, #tpu.memory_space<vmem_shared>>
      tpu.enqueue_dma source(%arg15 : memref<8192xf32, #tpu.memory_space<vmem>>) target(%dma_start3A_7 : memref<8192xf32, #tpu.memory_space<vmem_shared>>) target_semaphore(%run_scoped3A : memref<!tpu.dma_semaphore, #tpu.memory_space<semaphore_mem>>)
      %dma_wait3A = tpu.memref_slice %arg10[%mul3A_0] : memref<131072xf32, #tpu.memory_space<vmem_shared>> -> memref<8192xf32, #tpu.memory_space<vmem_shared>>
      %dma_wait3A_8 = tpu.memref_slice %arg10[%mul3A_0] : memref<131072xf32, #tpu.memory_space<vmem_shared>> -> memref<8192xf32, #tpu.memory_space<vmem_shared>>
      tpu.wait_dma2 semaphore(%run_scoped3A : memref<!tpu.dma_semaphore, #tpu.memory_space<semaphore_mem>>) src(%arg15 : memref<8192xf32, #tpu.memory_space<vmem>>) dst(%dma_wait3A_8 : memref<8192xf32, #tpu.memory_space<vmem_shared>>)
      tpu.yield
    }) : () -> ()
    %scan3A = arith.constant 0 : i32
    %scan3A_3 = arith.constant 5 : i32
    %scan3A_4 = arith.addi %scan3A, %scan3A_3 : i32
    %scan3A_5 = arith.constant 1 : i32
    scf.for %scan3A_7 = %scan3A to %scan3A_4 step %scan3A_5  : i32 {
      %mul3A_8 = arith.constant 1 : i32
      %mul3A_9 = arith.muli %scan3A_7, %mul3A_8 : i32
      %add3A = arith.constant 0 : i32
      %add3A_10 = arith.addi %add3A, %mul3A_9 : i32
      %mul3A_11 = arith.constant 5 : i32
      %mul3A_12 = arith.muli %arg0, %mul3A_11 : i32
      %add3A_13 = arith.addi %mul3A_12, %add3A_10 : i32
      %add3A_14 = arith.constant 0 : i32
      %add3A_15 = arith.addi %mul3A_0, %add3A_14 : i32
      "tpu.region"() ({
        %run_scoped3A = tpu.sem_alloc : memref<!tpu.dma_semaphore, #tpu.memory_space<semaphore_mem>>
        %dma_start3A = arith.constant 0 : i32
        %dma_start3A_54 = tpu.memref_slice %arg9[%add3A_15, %dma_start3A] : memref<131072x8xf32, #tpu.memory_space<vmem_shared>> -> memref<1024x8xf32, #tpu.memory_space<vmem_shared>>
        %dma_start3A_55 = arith.constant 0 : i32
        %dma_start3A_56 = tpu.memref_slice %arg9[%add3A_15, %dma_start3A_55] : memref<131072x8xf32, #tpu.memory_space<vmem_shared>> -> memref<1024x8xf32, #tpu.memory_space<vmem_shared>>
        tpu.enqueue_dma source(%arg14 : memref<1024x8xf32, #tpu.memory_space<vmem>>) target(%dma_start3A_56 : memref<1024x8xf32, #tpu.memory_space<vmem_shared>>) target_semaphore(%run_scoped3A : memref<!tpu.dma_semaphore, #tpu.memory_space<semaphore_mem>>)
        %dma_wait3A = arith.constant 0 : i32
        %dma_wait3A_57 = tpu.memref_slice %arg9[%add3A_15, %dma_wait3A] : memref<131072x8xf32, #tpu.memory_space<vmem_shared>> -> memref<1024x8xf32, #tpu.memory_space<vmem_shared>>
        %dma_wait3A_58 = arith.constant 0 : i32
        %dma_wait3A_59 = tpu.memref_slice %arg9[%add3A_15, %dma_wait3A_58] : memref<131072x8xf32, #tpu.memory_space<vmem_shared>> -> memref<1024x8xf32, #tpu.memory_space<vmem_shared>>
        tpu.wait_dma2 semaphore(%run_scoped3A : memref<!tpu.dma_semaphore, #tpu.memory_space<semaphore_mem>>) src(%arg14 : memref<1024x8xf32, #tpu.memory_space<vmem>>) dst(%dma_wait3A_59 : memref<1024x8xf32, #tpu.memory_space<vmem_shared>>)
        tpu.yield
      }) : () -> ()
      %add3A_16 = arith.constant 1024 : i32
      %add3A_17 = arith.addi %mul3A_0, %add3A_16 : i32
      "tpu.region"() ({
        %run_scoped3A = tpu.sem_alloc : memref<!tpu.dma_semaphore, #tpu.memory_space<semaphore_mem>>
        %dma_start3A = arith.constant 0 : i32
        %dma_start3A_54 = tpu.memref_slice %arg9[%add3A_17, %dma_start3A] : memref<131072x8xf32, #tpu.memory_space<vmem_shared>> -> memref<1024x8xf32, #tpu.memory_space<vmem_shared>>
        %dma_start3A_55 = arith.constant 0 : i32
        %dma_start3A_56 = tpu.memref_slice %arg9[%add3A_17, %dma_start3A_55] : memref<131072x8xf32, #tpu.memory_space<vmem_shared>> -> memref<1024x8xf32, #tpu.memory_space<vmem_shared>>
        tpu.enqueue_dma source(%arg14 : memref<1024x8xf32, #tpu.memory_space<vmem>>) target(%dma_start3A_56 : memref<1024x8xf32, #tpu.memory_space<vmem_shared>>) target_semaphore(%run_scoped3A : memref<!tpu.dma_semaphore, #tpu.memory_space<semaphore_mem>>)
        %dma_wait3A = arith.constant 0 : i32
        %dma_wait3A_57 = tpu.memref_slice %arg9[%add3A_17, %dma_wait3A] : memref<131072x8xf32, #tpu.memory_space<vmem_shared>> -> memref<1024x8xf32, #tpu.memory_space<vmem_shared>>
        %dma_wait3A_58 = arith.constant 0 : i32
        %dma_wait3A_59 = tpu.memref_slice %arg9[%add3A_17, %dma_wait3A_58] : memref<131072x8xf32, #tpu.memory_space<vmem_shared>> -> memref<1024x8xf32, #tpu.memory_space<vmem_shared>>
        tpu.wait_dma2 semaphore(%run_scoped3A : memref<!tpu.dma_semaphore, #tpu.memory_space<semaphore_mem>>) src(%arg14 : memref<1024x8xf32, #tpu.memory_space<vmem>>) dst(%dma_wait3A_59 : memref<1024x8xf32, #tpu.memory_space<vmem_shared>>)
        tpu.yield
      }) : () -> ()
      %add3A_18 = arith.constant 2048 : i32
      %add3A_19 = arith.addi %mul3A_0, %add3A_18 : i32
      "tpu.region"() ({
        %run_scoped3A = tpu.sem_alloc : memref<!tpu.dma_semaphore, #tpu.memory_space<semaphore_mem>>
        %dma_start3A = arith.constant 0 : i32
        %dma_start3A_54 = tpu.memref_slice %arg9[%add3A_19, %dma_start3A] : memref<131072x8xf32, #tpu.memory_space<vmem_shared>> -> memref<1024x8xf32, #tpu.memory_space<vmem_shared>>
        %dma_start3A_55 = arith.constant 0 : i32
        %dma_start3A_56 = tpu.memref_slice %arg9[%add3A_19, %dma_start3A_55] : memref<131072x8xf32, #tpu.memory_space<vmem_shared>> -> memref<1024x8xf32, #tpu.memory_space<vmem_shared>>
        tpu.enqueue_dma source(%arg14 : memref<1024x8xf32, #tpu.memory_space<vmem>>) target(%dma_start3A_56 : memref<1024x8xf32, #tpu.memory_space<vmem_shared>>) target_semaphore(%run_scoped3A : memref<!tpu.dma_semaphore, #tpu.memory_space<semaphore_mem>>)
        %dma_wait3A = arith.constant 0 : i32
        %dma_wait3A_57 = tpu.memref_slice %arg9[%add3A_19, %dma_wait3A] : memref<131072x8xf32, #tpu.memory_space<vmem_shared>> -> memref<1024x8xf32, #tpu.memory_space<vmem_shared>>
        %dma_wait3A_58 = arith.constant 0 : i32
        %dma_wait3A_59 = tpu.memref_slice %arg9[%add3A_19, %dma_wait3A_58] : memref<131072x8xf32, #tpu.memory_space<vmem_shared>> -> memref<1024x8xf32, #tpu.memory_space<vmem_shared>>
        tpu.wait_dma2 semaphore(%run_scoped3A : memref<!tpu.dma_semaphore, #tpu.memory_space<semaphore_mem>>) src(%arg14 : memref<1024x8xf32, #tpu.memory_space<vmem>>) dst(%dma_wait3A_59 : memref<1024x8xf32, #tpu.memory_space<vmem_shared>>)
        tpu.yield
      }) : () -> ()
      %add3A_20 = arith.constant 3072 : i32
      %add3A_21 = arith.addi %mul3A_0, %add3A_20 : i32
      "tpu.region"() ({
        %run_scoped3A = tpu.sem_alloc : memref<!tpu.dma_semaphore, #tpu.memory_space<semaphore_mem>>
        %dma_start3A = arith.constant 0 : i32
        %dma_start3A_54 = tpu.memref_slice %arg9[%add3A_21, %dma_start3A] : memref<131072x8xf32, #tpu.memory_space<vmem_shared>> -> memref<1024x8xf32, #tpu.memory_space<vmem_shared>>
        %dma_start3A_55 = arith.constant 0 : i32
        %dma_start3A_56 = tpu.memref_slice %arg9[%add3A_21, %dma_start3A_55] : memref<131072x8xf32, #tpu.memory_space<vmem_shared>> -> memref<1024x8xf32, #tpu.memory_space<vmem_shared>>
        tpu.enqueue_dma source(%arg14 : memref<1024x8xf32, #tpu.memory_space<vmem>>) target(%dma_start3A_56 : memref<1024x8xf32, #tpu.memory_space<vmem_shared>>) target_semaphore(%run_scoped3A : memref<!tpu.dma_semaphore, #tpu.memory_space<semaphore_mem>>)
        %dma_wait3A = arith.constant 0 : i32
        %dma_wait3A_57 = tpu.memref_slice %arg9[%add3A_21, %dma_wait3A] : memref<131072x8xf32, #tpu.memory_space<vmem_shared>> -> memref<1024x8xf32, #tpu.memory_space<vmem_shared>>
        %dma_wait3A_58 = arith.constant 0 : i32
        %dma_wait3A_59 = tpu.memref_slice %arg9[%add3A_21, %dma_wait3A_58] : memref<131072x8xf32, #tpu.memory_space<vmem_shared>> -> memref<1024x8xf32, #tpu.memory_space<vmem_shared>>
        tpu.wait_dma2 semaphore(%run_scoped3A : memref<!tpu.dma_semaphore, #tpu.memory_space<semaphore_mem>>) src(%arg14 : memref<1024x8xf32, #tpu.memory_space<vmem>>) dst(%dma_wait3A_59 : memref<1024x8xf32, #tpu.memory_space<vmem_shared>>)
        tpu.yield
      }) : () -> ()
      %add3A_22 = arith.constant 4096 : i32
      %add3A_23 = arith.addi %mul3A_0, %add3A_22 : i32
      "tpu.region"() ({
        %run_scoped3A = tpu.sem_alloc : memref<!tpu.dma_semaphore, #tpu.memory_space<semaphore_mem>>
        %dma_start3A = arith.constant 0 : i32
        %dma_start3A_54 = tpu.memref_slice %arg9[%add3A_23, %dma_start3A] : memref<131072x8xf32, #tpu.memory_space<vmem_shared>> -> memref<1024x8xf32, #tpu.memory_space<vmem_shared>>
        %dma_start3A_55 = arith.constant 0 : i32
        %dma_start3A_56 = tpu.memref_slice %arg9[%add3A_23, %dma_start3A_55] : memref<131072x8xf32, #tpu.memory_space<vmem_shared>> -> memref<1024x8xf32, #tpu.memory_space<vmem_shared>>
        tpu.enqueue_dma source(%arg14 : memref<1024x8xf32, #tpu.memory_space<vmem>>) target(%dma_start3A_56 : memref<1024x8xf32, #tpu.memory_space<vmem_shared>>) target_semaphore(%run_scoped3A : memref<!tpu.dma_semaphore, #tpu.memory_space<semaphore_mem>>)
        %dma_wait3A = arith.constant 0 : i32
        %dma_wait3A_57 = tpu.memref_slice %arg9[%add3A_23, %dma_wait3A] : memref<131072x8xf32, #tpu.memory_space<vmem_shared>> -> memref<1024x8xf32, #tpu.memory_space<vmem_shared>>
        %dma_wait3A_58 = arith.constant 0 : i32
        %dma_wait3A_59 = tpu.memref_slice %arg9[%add3A_23, %dma_wait3A_58] : memref<131072x8xf32, #tpu.memory_space<vmem_shared>> -> memref<1024x8xf32, #tpu.memory_space<vmem_shared>>
        tpu.wait_dma2 semaphore(%run_scoped3A : memref<!tpu.dma_semaphore, #tpu.memory_space<semaphore_mem>>) src(%arg14 : memref<1024x8xf32, #tpu.memory_space<vmem>>) dst(%dma_wait3A_59 : memref<1024x8xf32, #tpu.memory_space<vmem_shared>>)
        tpu.yield
      }) : () -> ()
      %add3A_24 = arith.constant 5120 : i32
      %add3A_25 = arith.addi %mul3A_0, %add3A_24 : i32
      "tpu.region"() ({
        %run_scoped3A = tpu.sem_alloc : memref<!tpu.dma_semaphore, #tpu.memory_space<semaphore_mem>>
        %dma_start3A = arith.constant 0 : i32
        %dma_start3A_54 = tpu.memref_slice %arg9[%add3A_25, %dma_start3A] : memref<131072x8xf32, #tpu.memory_space<vmem_shared>> -> memref<1024x8xf32, #tpu.memory_space<vmem_shared>>
        %dma_start3A_55 = arith.constant 0 : i32
        %dma_start3A_56 = tpu.memref_slice %arg9[%add3A_25, %dma_start3A_55] : memref<131072x8xf32, #tpu.memory_space<vmem_shared>> -> memref<1024x8xf32, #tpu.memory_space<vmem_shared>>
        tpu.enqueue_dma source(%arg14 : memref<1024x8xf32, #tpu.memory_space<vmem>>) target(%dma_start3A_56 : memref<1024x8xf32, #tpu.memory_space<vmem_shared>>) target_semaphore(%run_scoped3A : memref<!tpu.dma_semaphore, #tpu.memory_space<semaphore_mem>>)
        %dma_wait3A = arith.constant 0 : i32
        %dma_wait3A_57 = tpu.memref_slice %arg9[%add3A_25, %dma_wait3A] : memref<131072x8xf32, #tpu.memory_space<vmem_shared>> -> memref<1024x8xf32, #tpu.memory_space<vmem_shared>>
        %dma_wait3A_58 = arith.constant 0 : i32
        %dma_wait3A_59 = tpu.memref_slice %arg9[%add3A_25, %dma_wait3A_58] : memref<131072x8xf32, #tpu.memory_space<vmem_shared>> -> memref<1024x8xf32, #tpu.memory_space<vmem_shared>>
        tpu.wait_dma2 semaphore(%run_scoped3A : memref<!tpu.dma_semaphore, #tpu.memory_space<semaphore_mem>>) src(%arg14 : memref<1024x8xf32, #tpu.memory_space<vmem>>) dst(%dma_wait3A_59 : memref<1024x8xf32, #tpu.memory_space<vmem_shared>>)
        tpu.yield
      }) : () -> ()
      %add3A_26 = arith.constant 6144 : i32
      %add3A_27 = arith.addi %mul3A_0, %add3A_26 : i32
      "tpu.region"() ({
        %run_scoped3A = tpu.sem_alloc : memref<!tpu.dma_semaphore, #tpu.memory_space<semaphore_mem>>
        %dma_start3A = arith.constant 0 : i32
        %dma_start3A_54 = tpu.memref_slice %arg9[%add3A_27, %dma_start3A] : memref<131072x8xf32, #tpu.memory_space<vmem_shared>> -> memref<1024x8xf32, #tpu.memory_space<vmem_shared>>
        %dma_start3A_55 = arith.constant 0 : i32
        %dma_start3A_56 = tpu.memref_slice %arg9[%add3A_27, %dma_start3A_55] : memref<131072x8xf32, #tpu.memory_space<vmem_shared>> -> memref<1024x8xf32, #tpu.memory_space<vmem_shared>>
        tpu.enqueue_dma source(%arg14 : memref<1024x8xf32, #tpu.memory_space<vmem>>) target(%dma_start3A_56 : memref<1024x8xf32, #tpu.memory_space<vmem_shared>>) target_semaphore(%run_scoped3A : memref<!tpu.dma_semaphore, #tpu.memory_space<semaphore_mem>>)
        %dma_wait3A = arith.constant 0 : i32
        %dma_wait3A_57 = tpu.memref_slice %arg9[%add3A_27, %dma_wait3A] : memref<131072x8xf32, #tpu.memory_space<vmem_shared>> -> memref<1024x8xf32, #tpu.memory_space<vmem_shared>>
        %dma_wait3A_58 = arith.constant 0 : i32
        %dma_wait3A_59 = tpu.memref_slice %arg9[%add3A_27, %dma_wait3A_58] : memref<131072x8xf32, #tpu.memory_space<vmem_shared>> -> memref<1024x8xf32, #tpu.memory_space<vmem_shared>>
        tpu.wait_dma2 semaphore(%run_scoped3A : memref<!tpu.dma_semaphore, #tpu.memory_space<semaphore_mem>>) src(%arg14 : memref<1024x8xf32, #tpu.memory_space<vmem>>) dst(%dma_wait3A_59 : memref<1024x8xf32, #tpu.memory_space<vmem_shared>>)
        tpu.yield
      }) : () -> ()
      %add3A_28 = arith.constant 7168 : i32
      %add3A_29 = arith.addi %mul3A_0, %add3A_28 : i32
      "tpu.region"() ({
        %run_scoped3A = tpu.sem_alloc : memref<!tpu.dma_semaphore, #tpu.memory_space<semaphore_mem>>
        %dma_start3A = arith.constant 0 : i32
        %dma_start3A_54 = tpu.memref_slice %arg9[%add3A_29, %dma_start3A] : memref<131072x8xf32, #tpu.memory_space<vmem_shared>> -> memref<1024x8xf32, #tpu.memory_space<vmem_shared>>
        %dma_start3A_55 = arith.constant 0 : i32
        %dma_start3A_56 = tpu.memref_slice %arg9[%add3A_29, %dma_start3A_55] : memref<131072x8xf32, #tpu.memory_space<vmem_shared>> -> memref<1024x8xf32, #tpu.memory_space<vmem_shared>>
        tpu.enqueue_dma source(%arg14 : memref<1024x8xf32, #tpu.memory_space<vmem>>) target(%dma_start3A_56 : memref<1024x8xf32, #tpu.memory_space<vmem_shared>>) target_semaphore(%run_scoped3A : memref<!tpu.dma_semaphore, #tpu.memory_space<semaphore_mem>>)
        %dma_wait3A = arith.constant 0 : i32
        %dma_wait3A_57 = tpu.memref_slice %arg9[%add3A_29, %dma_wait3A] : memref<131072x8xf32, #tpu.memory_space<vmem_shared>> -> memref<1024x8xf32, #tpu.memory_space<vmem_shared>>
        %dma_wait3A_58 = arith.constant 0 : i32
        %dma_wait3A_59 = tpu.memref_slice %arg9[%add3A_29, %dma_wait3A_58] : memref<131072x8xf32, #tpu.memory_space<vmem_shared>> -> memref<1024x8xf32, #tpu.memory_space<vmem_shared>>
        tpu.wait_dma2 semaphore(%run_scoped3A : memref<!tpu.dma_semaphore, #tpu.memory_space<semaphore_mem>>) src(%arg14 : memref<1024x8xf32, #tpu.memory_space<vmem>>) dst(%dma_wait3A_59 : memref<1024x8xf32, #tpu.memory_space<vmem_shared>>)
        tpu.yield
      }) : () -> ()
      %barrier3A = arith.constant 0 : index
      tpu.barrier barrier_id(%barrier3A)
      %scan3A_30 = arith.constant 0 : i32
      %scan3A_31 = arith.constant 15 : i32
      %scan3A_32 = arith.addi %scan3A_30, %scan3A_31 : i32
      %scan3A_33 = arith.constant 1 : i32
      scf.for %scan3A_54 = %scan3A_30 to %scan3A_32 step %scan3A_33  : i32 {
        %mul3A_55 = arith.constant 1 : i32
        %mul3A_56 = arith.muli %scan3A_54, %mul3A_55 : i32
        %add3A_57 = arith.constant 0 : i32
        %add3A_58 = arith.addi %add3A_57, %mul3A_56 : i32
        %mul3A_59 = arith.constant 2112 : i32
        %mul3A_60 = arith.muli %add3A_58, %mul3A_59 : i32
        %add3A_61 = arith.addi %mul3A_2, %mul3A_60 : i32
        "tpu.region"() ({
          %run_scoped3A = tpu.sem_alloc : memref<!tpu.dma_semaphore, #tpu.memory_space<semaphore_mem>>
          %dma_start3A = tpu.memref_slice %arg2[%add3A_61] : memref<506880xi32, #tpu.memory_space<hbm>> -> memref<2112xi32, #tpu.memory_space<hbm>>
          %dma_start3A_75 = tpu.memref_slice %arg2[%add3A_61] : memref<506880xi32, #tpu.memory_space<hbm>> -> memref<2112xi32, #tpu.memory_space<hbm>>
          tpu.enqueue_dma source(%dma_start3A_75 : memref<2112xi32, #tpu.memory_space<hbm>>) target(%arg11 : memref<2112xi32, #tpu.memory_space<vmem>>) target_semaphore(%run_scoped3A : memref<!tpu.dma_semaphore, #tpu.memory_space<semaphore_mem>>)
          %dma_wait3A = tpu.memref_slice %arg2[%add3A_61] : memref<506880xi32, #tpu.memory_space<hbm>> -> memref<2112xi32, #tpu.memory_space<hbm>>
          %dma_wait3A_76 = tpu.memref_slice %arg2[%add3A_61] : memref<506880xi32, #tpu.memory_space<hbm>> -> memref<2112xi32, #tpu.memory_space<hbm>>
          tpu.wait_dma2 semaphore(%run_scoped3A : memref<!tpu.dma_semaphore, #tpu.memory_space<semaphore_mem>>) src(%dma_wait3A_76 : memref<2112xi32, #tpu.memory_space<hbm>>) dst(%arg11 : memref<2112xi32, #tpu.memory_space<vmem>>)
          tpu.yield
        }) : () -> ()
        "tpu.region"() ({
          %run_scoped3A = tpu.sem_alloc : memref<!tpu.dma_semaphore, #tpu.memory_space<semaphore_mem>>
          %dma_start3A = arith.constant 0 : i32
          %dma_start3A_75 = tpu.memref_slice %arg3[%add3A_13, %add3A_61, %dma_start3A] : memref<10x506880x8xf32, #tpu.memory_space<hbm>> -> memref<1x2112x8xf32, #tpu.memory_space<hbm>>
          %dma_start3A_76 = tpu.memref_squeeze %dma_start3A_75 : memref<1x2112x8xf32, #tpu.memory_space<hbm>> -> memref<2112x8xf32, #tpu.memory_space<hbm>>
          %dma_start3A_77 = arith.constant 0 : i32
          %dma_start3A_78 = tpu.memref_slice %arg3[%add3A_13, %add3A_61, %dma_start3A_77] : memref<10x506880x8xf32, #tpu.memory_space<hbm>> -> memref<1x2112x8xf32, #tpu.memory_space<hbm>>
          %dma_start3A_79 = tpu.memref_squeeze %dma_start3A_78 : memref<1x2112x8xf32, #tpu.memory_space<hbm>> -> memref<2112x8xf32, #tpu.memory_space<hbm>>
          tpu.enqueue_dma source(%dma_start3A_79 : memref<2112x8xf32, #tpu.memory_space<hbm>>) target(%arg12 : memref<2112x8xf32, #tpu.memory_space<vmem>>) target_semaphore(%run_scoped3A : memref<!tpu.dma_semaphore, #tpu.memory_space<semaphore_mem>>)
          %dma_wait3A = arith.constant 0 : i32
          %dma_wait3A_80 = tpu.memref_slice %arg3[%add3A_13, %add3A_61, %dma_wait3A] : memref<10x506880x8xf32, #tpu.memory_space<hbm>> -> memref<1x2112x8xf32, #tpu.memory_space<hbm>>
          %dma_wait3A_81 = tpu.memref_squeeze %dma_wait3A_80 : memref<1x2112x8xf32, #tpu.memory_space<hbm>> -> memref<2112x8xf32, #tpu.memory_space<hbm>>
          %dma_wait3A_82 = arith.constant 0 : i32
          %dma_wait3A_83 = tpu.memref_slice %arg3[%add3A_13, %add3A_61, %dma_wait3A_82] : memref<10x506880x8xf32, #tpu.memory_space<hbm>> -> memref<1x2112x8xf32, #tpu.memory_space<hbm>>
          %dma_wait3A_84 = tpu.memref_squeeze %dma_wait3A_83 : memref<1x2112x8xf32, #tpu.memory_space<hbm>> -> memref<2112x8xf32, #tpu.memory_space<hbm>>
          tpu.wait_dma2 semaphore(%run_scoped3A : memref<!tpu.dma_semaphore, #tpu.memory_space<semaphore_mem>>) src(%dma_wait3A_84 : memref<2112x8xf32, #tpu.memory_space<hbm>>) dst(%arg12 : memref<2112x8xf32, #tpu.memory_space<vmem>>)
          tpu.yield
        }) : () -> ()
        "tpu.region"() ({
          %run_scoped3A = tpu.sem_alloc : memref<!tpu.dma_semaphore, #tpu.memory_space<semaphore_mem>>
          %dma_start3A = arith.constant 0 : i32
          %dma_start3A_75 = arith.constant 0 : i32
          %dma_start3A_76 = tpu.memref_slice %arg9[%dma_start3A, %dma_start3A_75] : memref<131072x8xf32, #tpu.memory_space<vmem_shared>> -> memref<131072x8xf32, #tpu.memory_space<vmem_shared>>
          tpu.enqueue_indirect_dma source(%arg12 : memref<2112x8xf32, #tpu.memory_space<vmem>>) target(%dma_start3A_76 : memref<131072x8xf32, #tpu.memory_space<vmem_shared>>) offsets(%arg11 : memref<2112xi32, #tpu.memory_space<vmem>>) semaphore(%run_scoped3A : memref<!tpu.dma_semaphore, #tpu.memory_space<semaphore_mem>>) {add = true}
          %dma_wait3A = arith.constant 0 : i32
          %dma_wait3A_77 = arith.constant 0 : i32
          %dma_wait3A_78 = tpu.memref_slice %arg9[%dma_wait3A, %dma_wait3A_77] : memref<131072x8xf32, #tpu.memory_space<vmem_shared>> -> memref<131072x8xf32, #tpu.memory_space<vmem_shared>>
          tpu.wait_indirect_dma semaphore(%run_scoped3A : memref<!tpu.dma_semaphore, #tpu.memory_space<semaphore_mem>>) src(%arg12 : memref<2112x8xf32, #tpu.memory_space<vmem>>) dst(%dma_wait3A_78 : memref<131072x8xf32, #tpu.memory_space<vmem_shared>>)
          tpu.yield
        }) : () -> ()
        %eq3A_62 = arith.constant 0 : i32
        %eq3A_63 = arith.cmpi eq, %add3A_10, %eq3A_62 : i32
        %lt3A = arith.constant 8 : i32
        %lt3A_64 = arith.cmpi slt, %add3A_58, %lt3A : i32
        %eq3A_65 = arith.constant 0 : i32
        %eq3A_66 = arith.cmpi eq, %arg0, %eq3A_65 : i32
        %and3A = arith.andi %lt3A_64, %eq3A_66 : i1
        %ge3A = arith.constant 8 : i32
        %ge3A_67 = arith.cmpi sge, %add3A_58, %ge3A : i32
        %eq3A_68 = arith.constant 1 : i32
        %eq3A_69 = arith.cmpi eq, %arg0, %eq3A_68 : i32
        %and3A_70 = arith.andi %ge3A_67, %eq3A_69 : i1
        %or3A = arith.ori %and3A, %and3A_70 : i1
        %and3A_71 = arith.andi %eq3A_63, %or3A : i1
        %convert_element_type3A_72 = arith.extui %and3A_71 : i1 to i32
        %cond3A_73 = arith.constant 0 : i32
        %cond3A_74 = arith.cmpi ne, %convert_element_type3A_72, %cond3A_73 : i32
        scf.if %cond3A_74 {
          "tpu.region"() ({
            %run_scoped3A = tpu.sem_alloc : memref<!tpu.dma_semaphore, #tpu.memory_space<semaphore_mem>>
            %dma_start3A = arith.constant 0 : i32
            %dma_start3A_75 = tpu.memref_slice %arg10[%dma_start3A] : memref<131072xf32, #tpu.memory_space<vmem_shared>> -> memref<131072xf32, #tpu.memory_space<vmem_shared>>
            tpu.enqueue_indirect_dma source(%arg13 : memref<2112xf32, #tpu.memory_space<vmem>>) target(%dma_start3A_75 : memref<131072xf32, #tpu.memory_space<vmem_shared>>) offsets(%arg11 : memref<2112xi32, #tpu.memory_space<vmem>>) semaphore(%run_scoped3A : memref<!tpu.dma_semaphore, #tpu.memory_space<semaphore_mem>>) {add = true}
            %dma_wait3A = arith.constant 0 : i32
            %dma_wait3A_76 = tpu.memref_slice %arg10[%dma_wait3A] : memref<131072xf32, #tpu.memory_space<vmem_shared>> -> memref<131072xf32, #tpu.memory_space<vmem_shared>>
            tpu.wait_indirect_dma semaphore(%run_scoped3A : memref<!tpu.dma_semaphore, #tpu.memory_space<semaphore_mem>>) src(%arg13 : memref<2112xf32, #tpu.memory_space<vmem>>) dst(%dma_wait3A_76 : memref<131072xf32, #tpu.memory_space<vmem_shared>>)
            tpu.yield
          }) : () -> ()
        } else {
        }
      }
      %scan3A_34 = arith.constant 15 : i32
      %barrier3A_35 = arith.constant 0 : index
      tpu.barrier barrier_id(%barrier3A_35)
      %add3A_36 = arith.constant 0 : i32
      %add3A_37 = arith.addi %mul3A_0, %add3A_36 : i32
      "tpu.region"() ({
        %run_scoped3A = tpu.sem_alloc : memref<!tpu.dma_semaphore, #tpu.memory_space<semaphore_mem>>
        %dma_start3A = arith.constant 0 : i32
        %dma_start3A_54 = tpu.memref_slice %arg9[%add3A_37, %dma_start3A] : memref<131072x8xf32, #tpu.memory_space<vmem_shared>> -> memref<1024x8xf32, #tpu.memory_space<vmem_shared>>
        %dma_start3A_55 = arith.constant 0 : i32
        %dma_start3A_56 = tpu.memref_slice %arg9[%add3A_37, %dma_start3A_55] : memref<131072x8xf32, #tpu.memory_space<vmem_shared>> -> memref<1024x8xf32, #tpu.memory_space<vmem_shared>>
        tpu.enqueue_dma source(%dma_start3A_56 : memref<1024x8xf32, #tpu.memory_space<vmem_shared>>) target(%arg16 : memref<1024x8xf32, #tpu.memory_space<vmem>>) target_semaphore(%run_scoped3A : memref<!tpu.dma_semaphore, #tpu.memory_space<semaphore_mem>>)
        %dma_wait3A = arith.constant 0 : i32
        %dma_wait3A_57 = tpu.memref_slice %arg9[%add3A_37, %dma_wait3A] : memref<131072x8xf32, #tpu.memory_space<vmem_shared>> -> memref<1024x8xf32, #tpu.memory_space<vmem_shared>>
        %dma_wait3A_58 = arith.constant 0 : i32
        %dma_wait3A_59 = tpu.memref_slice %arg9[%add3A_37, %dma_wait3A_58] : memref<131072x8xf32, #tpu.memory_space<vmem_shared>> -> memref<1024x8xf32, #tpu.memory_space<vmem_shared>>
        tpu.wait_dma2 semaphore(%run_scoped3A : memref<!tpu.dma_semaphore, #tpu.memory_space<semaphore_mem>>) src(%dma_wait3A_59 : memref<1024x8xf32, #tpu.memory_space<vmem_shared>>) dst(%arg16 : memref<1024x8xf32, #tpu.memory_space<vmem>>)
        tpu.yield
      }) : () -> ()
      "tpu.region"() ({
        %run_scoped3A = tpu.sem_alloc : memref<!tpu.dma_semaphore, #tpu.memory_space<semaphore_mem>>
        %dma_start3A = arith.constant 0 : i32
        %dma_start3A_54 = tpu.memref_slice %arg7[%add3A_13, %add3A_37, %dma_start3A] : memref<10x131072x8xf32, #tpu.memory_space<hbm>> -> memref<1x1024x8xf32, #tpu.memory_space<hbm>>
        %dma_start3A_55 = tpu.memref_squeeze %dma_start3A_54 : memref<1x1024x8xf32, #tpu.memory_space<hbm>> -> memref<1024x8xf32, #tpu.memory_space<hbm>>
        %dma_start3A_56 = arith.constant 0 : i32
        %dma_start3A_57 = tpu.memref_slice %arg7[%add3A_13, %add3A_37, %dma_start3A_56] : memref<10x131072x8xf32, #tpu.memory_space<hbm>> -> memref<1x1024x8xf32, #tpu.memory_space<hbm>>
        %dma_start3A_58 = tpu.memref_squeeze %dma_start3A_57 : memref<1x1024x8xf32, #tpu.memory_space<hbm>> -> memref<1024x8xf32, #tpu.memory_space<hbm>>
        tpu.enqueue_dma source(%arg16 : memref<1024x8xf32, #tpu.memory_space<vmem>>) target(%dma_start3A_58 : memref<1024x8xf32, #tpu.memory_space<hbm>>) target_semaphore(%run_scoped3A : memref<!tpu.dma_semaphore, #tpu.memory_space<semaphore_mem>>)
        %dma_wait3A = arith.constant 0 : i32
        %dma_wait3A_59 = tpu.memref_slice %arg7[%add3A_13, %add3A_37, %dma_wait3A] : memref<10x131072x8xf32, #tpu.memory_space<hbm>> -> memref<1x1024x8xf32, #tpu.memory_space<hbm>>
        %dma_wait3A_60 = tpu.memref_squeeze %dma_wait3A_59 : memref<1x1024x8xf32, #tpu.memory_space<hbm>> -> memref<1024x8xf32, #tpu.memory_space<hbm>>
        %dma_wait3A_61 = arith.constant 0 : i32
        %dma_wait3A_62 = tpu.memref_slice %arg7[%add3A_13, %add3A_37, %dma_wait3A_61] : memref<10x131072x8xf32, #tpu.memory_space<hbm>> -> memref<1x1024x8xf32, #tpu.memory_space<hbm>>
        %dma_wait3A_63 = tpu.memref_squeeze %dma_wait3A_62 : memref<1x1024x8xf32, #tpu.memory_space<hbm>> -> memref<1024x8xf32, #tpu.memory_space<hbm>>
        tpu.wait_dma2 semaphore(%run_scoped3A : memref<!tpu.dma_semaphore, #tpu.memory_space<semaphore_mem>>) src(%arg16 : memref<1024x8xf32, #tpu.memory_space<vmem>>) dst(%dma_wait3A_63 : memref<1024x8xf32, #tpu.memory_space<hbm>>)
        tpu.yield
      }) : () -> ()
      %add3A_38 = arith.constant 1024 : i32
      %add3A_39 = arith.addi %mul3A_0, %add3A_38 : i32
      "tpu.region"() ({
        %run_scoped3A = tpu.sem_alloc : memref<!tpu.dma_semaphore, #tpu.memory_space<semaphore_mem>>
        %dma_start3A = arith.constant 0 : i32
        %dma_start3A_54 = tpu.memref_slice %arg9[%add3A_39, %dma_start3A] : memref<131072x8xf32, #tpu.memory_space<vmem_shared>> -> memref<1024x8xf32, #tpu.memory_space<vmem_shared>>
        %dma_start3A_55 = arith.constant 0 : i32
        %dma_start3A_56 = tpu.memref_slice %arg9[%add3A_39, %dma_start3A_55] : memref<131072x8xf32, #tpu.memory_space<vmem_shared>> -> memref<1024x8xf32, #tpu.memory_space<vmem_shared>>
        tpu.enqueue_dma source(%dma_start3A_56 : memref<1024x8xf32, #tpu.memory_space<vmem_shared>>) target(%arg16 : memref<1024x8xf32, #tpu.memory_space<vmem>>) target_semaphore(%run_scoped3A : memref<!tpu.dma_semaphore, #tpu.memory_space<semaphore_mem>>)
        %dma_wait3A = arith.constant 0 : i32
        %dma_wait3A_57 = tpu.memref_slice %arg9[%add3A_39, %dma_wait3A] : memref<131072x8xf32, #tpu.memory_space<vmem_shared>> -> memref<1024x8xf32, #tpu.memory_space<vmem_shared>>
        %dma_wait3A_58 = arith.constant 0 : i32
        %dma_wait3A_59 = tpu.memref_slice %arg9[%add3A_39, %dma_wait3A_58] : memref<131072x8xf32, #tpu.memory_space<vmem_shared>> -> memref<1024x8xf32, #tpu.memory_space<vmem_shared>>
        tpu.wait_dma2 semaphore(%run_scoped3A : memref<!tpu.dma_semaphore, #tpu.memory_space<semaphore_mem>>) src(%dma_wait3A_59 : memref<1024x8xf32, #tpu.memory_space<vmem_shared>>) dst(%arg16 : memref<1024x8xf32, #tpu.memory_space<vmem>>)
        tpu.yield
      }) : () -> ()
      "tpu.region"() ({
        %run_scoped3A = tpu.sem_alloc : memref<!tpu.dma_semaphore, #tpu.memory_space<semaphore_mem>>
        %dma_start3A = arith.constant 0 : i32
        %dma_start3A_54 = tpu.memref_slice %arg7[%add3A_13, %add3A_39, %dma_start3A] : memref<10x131072x8xf32, #tpu.memory_space<hbm>> -> memref<1x1024x8xf32, #tpu.memory_space<hbm>>
        %dma_start3A_55 = tpu.memref_squeeze %dma_start3A_54 : memref<1x1024x8xf32, #tpu.memory_space<hbm>> -> memref<1024x8xf32, #tpu.memory_space<hbm>>
        %dma_start3A_56 = arith.constant 0 : i32
        %dma_start3A_57 = tpu.memref_slice %arg7[%add3A_13, %add3A_39, %dma_start3A_56] : memref<10x131072x8xf32, #tpu.memory_space<hbm>> -> memref<1x1024x8xf32, #tpu.memory_space<hbm>>
        %dma_start3A_58 = tpu.memref_squeeze %dma_start3A_57 : memref<1x1024x8xf32, #tpu.memory_space<hbm>> -> memref<1024x8xf32, #tpu.memory_space<hbm>>
        tpu.enqueue_dma source(%arg16 : memref<1024x8xf32, #tpu.memory_space<vmem>>) target(%dma_start3A_58 : memref<1024x8xf32, #tpu.memory_space<hbm>>) target_semaphore(%run_scoped3A : memref<!tpu.dma_semaphore, #tpu.memory_space<semaphore_mem>>)
        %dma_wait3A = arith.constant 0 : i32
        %dma_wait3A_59 = tpu.memref_slice %arg7[%add3A_13, %add3A_39, %dma_wait3A] : memref<10x131072x8xf32, #tpu.memory_space<hbm>> -> memref<1x1024x8xf32, #tpu.memory_space<hbm>>
        %dma_wait3A_60 = tpu.memref_squeeze %dma_wait3A_59 : memref<1x1024x8xf32, #tpu.memory_space<hbm>> -> memref<1024x8xf32, #tpu.memory_space<hbm>>
        %dma_wait3A_61 = arith.constant 0 : i32
        %dma_wait3A_62 = tpu.memref_slice %arg7[%add3A_13, %add3A_39, %dma_wait3A_61] : memref<10x131072x8xf32, #tpu.memory_space<hbm>> -> memref<1x1024x8xf32, #tpu.memory_space<hbm>>
        %dma_wait3A_63 = tpu.memref_squeeze %dma_wait3A_62 : memref<1x1024x8xf32, #tpu.memory_space<hbm>> -> memref<1024x8xf32, #tpu.memory_space<hbm>>
        tpu.wait_dma2 semaphore(%run_scoped3A : memref<!tpu.dma_semaphore, #tpu.memory_space<semaphore_mem>>) src(%arg16 : memref<1024x8xf32, #tpu.memory_space<vmem>>) dst(%dma_wait3A_63 : memref<1024x8xf32, #tpu.memory_space<hbm>>)
        tpu.yield
      }) : () -> ()
      %add3A_40 = arith.constant 2048 : i32
      %add3A_41 = arith.addi %mul3A_0, %add3A_40 : i32
      "tpu.region"() ({
        %run_scoped3A = tpu.sem_alloc : memref<!tpu.dma_semaphore, #tpu.memory_space<semaphore_mem>>
        %dma_start3A = arith.constant 0 : i32
        %dma_start3A_54 = tpu.memref_slice %arg9[%add3A_41, %dma_start3A] : memref<131072x8xf32, #tpu.memory_space<vmem_shared>> -> memref<1024x8xf32, #tpu.memory_space<vmem_shared>>
        %dma_start3A_55 = arith.constant 0 : i32
        %dma_start3A_56 = tpu.memref_slice %arg9[%add3A_41, %dma_start3A_55] : memref<131072x8xf32, #tpu.memory_space<vmem_shared>> -> memref<1024x8xf32, #tpu.memory_space<vmem_shared>>
        tpu.enqueue_dma source(%dma_start3A_56 : memref<1024x8xf32, #tpu.memory_space<vmem_shared>>) target(%arg16 : memref<1024x8xf32, #tpu.memory_space<vmem>>) target_semaphore(%run_scoped3A : memref<!tpu.dma_semaphore, #tpu.memory_space<semaphore_mem>>)
        %dma_wait3A = arith.constant 0 : i32
        %dma_wait3A_57 = tpu.memref_slice %arg9[%add3A_41, %dma_wait3A] : memref<131072x8xf32, #tpu.memory_space<vmem_shared>> -> memref<1024x8xf32, #tpu.memory_space<vmem_shared>>
        %dma_wait3A_58 = arith.constant 0 : i32
        %dma_wait3A_59 = tpu.memref_slice %arg9[%add3A_41, %dma_wait3A_58] : memref<131072x8xf32, #tpu.memory_space<vmem_shared>> -> memref<1024x8xf32, #tpu.memory_space<vmem_shared>>
        tpu.wait_dma2 semaphore(%run_scoped3A : memref<!tpu.dma_semaphore, #tpu.memory_space<semaphore_mem>>) src(%dma_wait3A_59 : memref<1024x8xf32, #tpu.memory_space<vmem_shared>>) dst(%arg16 : memref<1024x8xf32, #tpu.memory_space<vmem>>)
        tpu.yield
      }) : () -> ()
      "tpu.region"() ({
        %run_scoped3A = tpu.sem_alloc : memref<!tpu.dma_semaphore, #tpu.memory_space<semaphore_mem>>
        %dma_start3A = arith.constant 0 : i32
        %dma_start3A_54 = tpu.memref_slice %arg7[%add3A_13, %add3A_41, %dma_start3A] : memref<10x131072x8xf32, #tpu.memory_space<hbm>> -> memref<1x1024x8xf32, #tpu.memory_space<hbm>>
        %dma_start3A_55 = tpu.memref_squeeze %dma_start3A_54 : memref<1x1024x8xf32, #tpu.memory_space<hbm>> -> memref<1024x8xf32, #tpu.memory_space<hbm>>
        %dma_start3A_56 = arith.constant 0 : i32
        %dma_start3A_57 = tpu.memref_slice %arg7[%add3A_13, %add3A_41, %dma_start3A_56] : memref<10x131072x8xf32, #tpu.memory_space<hbm>> -> memref<1x1024x8xf32, #tpu.memory_space<hbm>>
        %dma_start3A_58 = tpu.memref_squeeze %dma_start3A_57 : memref<1x1024x8xf32, #tpu.memory_space<hbm>> -> memref<1024x8xf32, #tpu.memory_space<hbm>>
        tpu.enqueue_dma source(%arg16 : memref<1024x8xf32, #tpu.memory_space<vmem>>) target(%dma_start3A_58 : memref<1024x8xf32, #tpu.memory_space<hbm>>) target_semaphore(%run_scoped3A : memref<!tpu.dma_semaphore, #tpu.memory_space<semaphore_mem>>)
        %dma_wait3A = arith.constant 0 : i32
        %dma_wait3A_59 = tpu.memref_slice %arg7[%add3A_13, %add3A_41, %dma_wait3A] : memref<10x131072x8xf32, #tpu.memory_space<hbm>> -> memref<1x1024x8xf32, #tpu.memory_space<hbm>>
        %dma_wait3A_60 = tpu.memref_squeeze %dma_wait3A_59 : memref<1x1024x8xf32, #tpu.memory_space<hbm>> -> memref<1024x8xf32, #tpu.memory_space<hbm>>
        %dma_wait3A_61 = arith.constant 0 : i32
        %dma_wait3A_62 = tpu.memref_slice %arg7[%add3A_13, %add3A_41, %dma_wait3A_61] : memref<10x131072x8xf32, #tpu.memory_space<hbm>> -> memref<1x1024x8xf32, #tpu.memory_space<hbm>>
        %dma_wait3A_63 = tpu.memref_squeeze %dma_wait3A_62 : memref<1x1024x8xf32, #tpu.memory_space<hbm>> -> memref<1024x8xf32, #tpu.memory_space<hbm>>
        tpu.wait_dma2 semaphore(%run_scoped3A : memref<!tpu.dma_semaphore, #tpu.memory_space<semaphore_mem>>) src(%arg16 : memref<1024x8xf32, #tpu.memory_space<vmem>>) dst(%dma_wait3A_63 : memref<1024x8xf32, #tpu.memory_space<hbm>>)
        tpu.yield
      }) : () -> ()
      %add3A_42 = arith.constant 3072 : i32
      %add3A_43 = arith.addi %mul3A_0, %add3A_42 : i32
      "tpu.region"() ({
        %run_scoped3A = tpu.sem_alloc : memref<!tpu.dma_semaphore, #tpu.memory_space<semaphore_mem>>
        %dma_start3A = arith.constant 0 : i32
        %dma_start3A_54 = tpu.memref_slice %arg9[%add3A_43, %dma_start3A] : memref<131072x8xf32, #tpu.memory_space<vmem_shared>> -> memref<1024x8xf32, #tpu.memory_space<vmem_shared>>
        %dma_start3A_55 = arith.constant 0 : i32
        %dma_start3A_56 = tpu.memref_slice %arg9[%add3A_43, %dma_start3A_55] : memref<131072x8xf32, #tpu.memory_space<vmem_shared>> -> memref<1024x8xf32, #tpu.memory_space<vmem_shared>>
        tpu.enqueue_dma source(%dma_start3A_56 : memref<1024x8xf32, #tpu.memory_space<vmem_shared>>) target(%arg16 : memref<1024x8xf32, #tpu.memory_space<vmem>>) target_semaphore(%run_scoped3A : memref<!tpu.dma_semaphore, #tpu.memory_space<semaphore_mem>>)
        %dma_wait3A = arith.constant 0 : i32
        %dma_wait3A_57 = tpu.memref_slice %arg9[%add3A_43, %dma_wait3A] : memref<131072x8xf32, #tpu.memory_space<vmem_shared>> -> memref<1024x8xf32, #tpu.memory_space<vmem_shared>>
        %dma_wait3A_58 = arith.constant 0 : i32
        %dma_wait3A_59 = tpu.memref_slice %arg9[%add3A_43, %dma_wait3A_58] : memref<131072x8xf32, #tpu.memory_space<vmem_shared>> -> memref<1024x8xf32, #tpu.memory_space<vmem_shared>>
        tpu.wait_dma2 semaphore(%run_scoped3A : memref<!tpu.dma_semaphore, #tpu.memory_space<semaphore_mem>>) src(%dma_wait3A_59 : memref<1024x8xf32, #tpu.memory_space<vmem_shared>>) dst(%arg16 : memref<1024x8xf32, #tpu.memory_space<vmem>>)
        tpu.yield
      }) : () -> ()
      "tpu.region"() ({
        %run_scoped3A = tpu.sem_alloc : memref<!tpu.dma_semaphore, #tpu.memory_space<semaphore_mem>>
        %dma_start3A = arith.constant 0 : i32
        %dma_start3A_54 = tpu.memref_slice %arg7[%add3A_13, %add3A_43, %dma_start3A] : memref<10x131072x8xf32, #tpu.memory_space<hbm>> -> memref<1x1024x8xf32, #tpu.memory_space<hbm>>
        %dma_start3A_55 = tpu.memref_squeeze %dma_start3A_54 : memref<1x1024x8xf32, #tpu.memory_space<hbm>> -> memref<1024x8xf32, #tpu.memory_space<hbm>>
        %dma_start3A_56 = arith.constant 0 : i32
        %dma_start3A_57 = tpu.memref_slice %arg7[%add3A_13, %add3A_43, %dma_start3A_56] : memref<10x131072x8xf32, #tpu.memory_space<hbm>> -> memref<1x1024x8xf32, #tpu.memory_space<hbm>>
        %dma_start3A_58 = tpu.memref_squeeze %dma_start3A_57 : memref<1x1024x8xf32, #tpu.memory_space<hbm>> -> memref<1024x8xf32, #tpu.memory_space<hbm>>
        tpu.enqueue_dma source(%arg16 : memref<1024x8xf32, #tpu.memory_space<vmem>>) target(%dma_start3A_58 : memref<1024x8xf32, #tpu.memory_space<hbm>>) target_semaphore(%run_scoped3A : memref<!tpu.dma_semaphore, #tpu.memory_space<semaphore_mem>>)
        %dma_wait3A = arith.constant 0 : i32
        %dma_wait3A_59 = tpu.memref_slice %arg7[%add3A_13, %add3A_43, %dma_wait3A] : memref<10x131072x8xf32, #tpu.memory_space<hbm>> -> memref<1x1024x8xf32, #tpu.memory_space<hbm>>
        %dma_wait3A_60 = tpu.memref_squeeze %dma_wait3A_59 : memref<1x1024x8xf32, #tpu.memory_space<hbm>> -> memref<1024x8xf32, #tpu.memory_space<hbm>>
        %dma_wait3A_61 = arith.constant 0 : i32
        %dma_wait3A_62 = tpu.memref_slice %arg7[%add3A_13, %add3A_43, %dma_wait3A_61] : memref<10x131072x8xf32, #tpu.memory_space<hbm>> -> memref<1x1024x8xf32, #tpu.memory_space<hbm>>
        %dma_wait3A_63 = tpu.memref_squeeze %dma_wait3A_62 : memref<1x1024x8xf32, #tpu.memory_space<hbm>> -> memref<1024x8xf32, #tpu.memory_space<hbm>>
        tpu.wait_dma2 semaphore(%run_scoped3A : memref<!tpu.dma_semaphore, #tpu.memory_space<semaphore_mem>>) src(%arg16 : memref<1024x8xf32, #tpu.memory_space<vmem>>) dst(%dma_wait3A_63 : memref<1024x8xf32, #tpu.memory_space<hbm>>)
        tpu.yield
      }) : () -> ()
      %add3A_44 = arith.constant 4096 : i32
      %add3A_45 = arith.addi %mul3A_0, %add3A_44 : i32
      "tpu.region"() ({
        %run_scoped3A = tpu.sem_alloc : memref<!tpu.dma_semaphore, #tpu.memory_space<semaphore_mem>>
        %dma_start3A = arith.constant 0 : i32
        %dma_start3A_54 = tpu.memref_slice %arg9[%add3A_45, %dma_start3A] : memref<131072x8xf32, #tpu.memory_space<vmem_shared>> -> memref<1024x8xf32, #tpu.memory_space<vmem_shared>>
        %dma_start3A_55 = arith.constant 0 : i32
        %dma_start3A_56 = tpu.memref_slice %arg9[%add3A_45, %dma_start3A_55] : memref<131072x8xf32, #tpu.memory_space<vmem_shared>> -> memref<1024x8xf32, #tpu.memory_space<vmem_shared>>
        tpu.enqueue_dma source(%dma_start3A_56 : memref<1024x8xf32, #tpu.memory_space<vmem_shared>>) target(%arg16 : memref<1024x8xf32, #tpu.memory_space<vmem>>) target_semaphore(%run_scoped3A : memref<!tpu.dma_semaphore, #tpu.memory_space<semaphore_mem>>)
        %dma_wait3A = arith.constant 0 : i32
        %dma_wait3A_57 = tpu.memref_slice %arg9[%add3A_45, %dma_wait3A] : memref<131072x8xf32, #tpu.memory_space<vmem_shared>> -> memref<1024x8xf32, #tpu.memory_space<vmem_shared>>
        %dma_wait3A_58 = arith.constant 0 : i32
        %dma_wait3A_59 = tpu.memref_slice %arg9[%add3A_45, %dma_wait3A_58] : memref<131072x8xf32, #tpu.memory_space<vmem_shared>> -> memref<1024x8xf32, #tpu.memory_space<vmem_shared>>
        tpu.wait_dma2 semaphore(%run_scoped3A : memref<!tpu.dma_semaphore, #tpu.memory_space<semaphore_mem>>) src(%dma_wait3A_59 : memref<1024x8xf32, #tpu.memory_space<vmem_shared>>) dst(%arg16 : memref<1024x8xf32, #tpu.memory_space<vmem>>)
        tpu.yield
      }) : () -> ()
      "tpu.region"() ({
        %run_scoped3A = tpu.sem_alloc : memref<!tpu.dma_semaphore, #tpu.memory_space<semaphore_mem>>
        %dma_start3A = arith.constant 0 : i32
        %dma_start3A_54 = tpu.memref_slice %arg7[%add3A_13, %add3A_45, %dma_start3A] : memref<10x131072x8xf32, #tpu.memory_space<hbm>> -> memref<1x1024x8xf32, #tpu.memory_space<hbm>>
        %dma_start3A_55 = tpu.memref_squeeze %dma_start3A_54 : memref<1x1024x8xf32, #tpu.memory_space<hbm>> -> memref<1024x8xf32, #tpu.memory_space<hbm>>
        %dma_start3A_56 = arith.constant 0 : i32
        %dma_start3A_57 = tpu.memref_slice %arg7[%add3A_13, %add3A_45, %dma_start3A_56] : memref<10x131072x8xf32, #tpu.memory_space<hbm>> -> memref<1x1024x8xf32, #tpu.memory_space<hbm>>
        %dma_start3A_58 = tpu.memref_squeeze %dma_start3A_57 : memref<1x1024x8xf32, #tpu.memory_space<hbm>> -> memref<1024x8xf32, #tpu.memory_space<hbm>>
        tpu.enqueue_dma source(%arg16 : memref<1024x8xf32, #tpu.memory_space<vmem>>) target(%dma_start3A_58 : memref<1024x8xf32, #tpu.memory_space<hbm>>) target_semaphore(%run_scoped3A : memref<!tpu.dma_semaphore, #tpu.memory_space<semaphore_mem>>)
        %dma_wait3A = arith.constant 0 : i32
        %dma_wait3A_59 = tpu.memref_slice %arg7[%add3A_13, %add3A_45, %dma_wait3A] : memref<10x131072x8xf32, #tpu.memory_space<hbm>> -> memref<1x1024x8xf32, #tpu.memory_space<hbm>>
        %dma_wait3A_60 = tpu.memref_squeeze %dma_wait3A_59 : memref<1x1024x8xf32, #tpu.memory_space<hbm>> -> memref<1024x8xf32, #tpu.memory_space<hbm>>
        %dma_wait3A_61 = arith.constant 0 : i32
        %dma_wait3A_62 = tpu.memref_slice %arg7[%add3A_13, %add3A_45, %dma_wait3A_61] : memref<10x131072x8xf32, #tpu.memory_space<hbm>> -> memref<1x1024x8xf32, #tpu.memory_space<hbm>>
        %dma_wait3A_63 = tpu.memref_squeeze %dma_wait3A_62 : memref<1x1024x8xf32, #tpu.memory_space<hbm>> -> memref<1024x8xf32, #tpu.memory_space<hbm>>
        tpu.wait_dma2 semaphore(%run_scoped3A : memref<!tpu.dma_semaphore, #tpu.memory_space<semaphore_mem>>) src(%arg16 : memref<1024x8xf32, #tpu.memory_space<vmem>>) dst(%dma_wait3A_63 : memref<1024x8xf32, #tpu.memory_space<hbm>>)
        tpu.yield
      }) : () -> ()
      %add3A_46 = arith.constant 5120 : i32
      %add3A_47 = arith.addi %mul3A_0, %add3A_46 : i32
      "tpu.region"() ({
        %run_scoped3A = tpu.sem_alloc : memref<!tpu.dma_semaphore, #tpu.memory_space<semaphore_mem>>
        %dma_start3A = arith.constant 0 : i32
        %dma_start3A_54 = tpu.memref_slice %arg9[%add3A_47, %dma_start3A] : memref<131072x8xf32, #tpu.memory_space<vmem_shared>> -> memref<1024x8xf32, #tpu.memory_space<vmem_shared>>
        %dma_start3A_55 = arith.constant 0 : i32
        %dma_start3A_56 = tpu.memref_slice %arg9[%add3A_47, %dma_start3A_55] : memref<131072x8xf32, #tpu.memory_space<vmem_shared>> -> memref<1024x8xf32, #tpu.memory_space<vmem_shared>>
        tpu.enqueue_dma source(%dma_start3A_56 : memref<1024x8xf32, #tpu.memory_space<vmem_shared>>) target(%arg16 : memref<1024x8xf32, #tpu.memory_space<vmem>>) target_semaphore(%run_scoped3A : memref<!tpu.dma_semaphore, #tpu.memory_space<semaphore_mem>>)
        %dma_wait3A = arith.constant 0 : i32
        %dma_wait3A_57 = tpu.memref_slice %arg9[%add3A_47, %dma_wait3A] : memref<131072x8xf32, #tpu.memory_space<vmem_shared>> -> memref<1024x8xf32, #tpu.memory_space<vmem_shared>>
        %dma_wait3A_58 = arith.constant 0 : i32
        %dma_wait3A_59 = tpu.memref_slice %arg9[%add3A_47, %dma_wait3A_58] : memref<131072x8xf32, #tpu.memory_space<vmem_shared>> -> memref<1024x8xf32, #tpu.memory_space<vmem_shared>>
        tpu.wait_dma2 semaphore(%run_scoped3A : memref<!tpu.dma_semaphore, #tpu.memory_space<semaphore_mem>>) src(%dma_wait3A_59 : memref<1024x8xf32, #tpu.memory_space<vmem_shared>>) dst(%arg16 : memref<1024x8xf32, #tpu.memory_space<vmem>>)
        tpu.yield
      }) : () -> ()
      "tpu.region"() ({
        %run_scoped3A = tpu.sem_alloc : memref<!tpu.dma_semaphore, #tpu.memory_space<semaphore_mem>>
        %dma_start3A = arith.constant 0 : i32
        %dma_start3A_54 = tpu.memref_slice %arg7[%add3A_13, %add3A_47, %dma_start3A] : memref<10x131072x8xf32, #tpu.memory_space<hbm>> -> memref<1x1024x8xf32, #tpu.memory_space<hbm>>
        %dma_start3A_55 = tpu.memref_squeeze %dma_start3A_54 : memref<1x1024x8xf32, #tpu.memory_space<hbm>> -> memref<1024x8xf32, #tpu.memory_space<hbm>>
        %dma_start3A_56 = arith.constant 0 : i32
        %dma_start3A_57 = tpu.memref_slice %arg7[%add3A_13, %add3A_47, %dma_start3A_56] : memref<10x131072x8xf32, #tpu.memory_space<hbm>> -> memref<1x1024x8xf32, #tpu.memory_space<hbm>>
        %dma_start3A_58 = tpu.memref_squeeze %dma_start3A_57 : memref<1x1024x8xf32, #tpu.memory_space<hbm>> -> memref<1024x8xf32, #tpu.memory_space<hbm>>
        tpu.enqueue_dma source(%arg16 : memref<1024x8xf32, #tpu.memory_space<vmem>>) target(%dma_start3A_58 : memref<1024x8xf32, #tpu.memory_space<hbm>>) target_semaphore(%run_scoped3A : memref<!tpu.dma_semaphore, #tpu.memory_space<semaphore_mem>>)
        %dma_wait3A = arith.constant 0 : i32
        %dma_wait3A_59 = tpu.memref_slice %arg7[%add3A_13, %add3A_47, %dma_wait3A] : memref<10x131072x8xf32, #tpu.memory_space<hbm>> -> memref<1x1024x8xf32, #tpu.memory_space<hbm>>
        %dma_wait3A_60 = tpu.memref_squeeze %dma_wait3A_59 : memref<1x1024x8xf32, #tpu.memory_space<hbm>> -> memref<1024x8xf32, #tpu.memory_space<hbm>>
        %dma_wait3A_61 = arith.constant 0 : i32
        %dma_wait3A_62 = tpu.memref_slice %arg7[%add3A_13, %add3A_47, %dma_wait3A_61] : memref<10x131072x8xf32, #tpu.memory_space<hbm>> -> memref<1x1024x8xf32, #tpu.memory_space<hbm>>
        %dma_wait3A_63 = tpu.memref_squeeze %dma_wait3A_62 : memref<1x1024x8xf32, #tpu.memory_space<hbm>> -> memref<1024x8xf32, #tpu.memory_space<hbm>>
        tpu.wait_dma2 semaphore(%run_scoped3A : memref<!tpu.dma_semaphore, #tpu.memory_space<semaphore_mem>>) src(%arg16 : memref<1024x8xf32, #tpu.memory_space<vmem>>) dst(%dma_wait3A_63 : memref<1024x8xf32, #tpu.memory_space<hbm>>)
        tpu.yield
      }) : () -> ()
      %add3A_48 = arith.constant 6144 : i32
      %add3A_49 = arith.addi %mul3A_0, %add3A_48 : i32
      "tpu.region"() ({
        %run_scoped3A = tpu.sem_alloc : memref<!tpu.dma_semaphore, #tpu.memory_space<semaphore_mem>>
        %dma_start3A = arith.constant 0 : i32
        %dma_start3A_54 = tpu.memref_slice %arg9[%add3A_49, %dma_start3A] : memref<131072x8xf32, #tpu.memory_space<vmem_shared>> -> memref<1024x8xf32, #tpu.memory_space<vmem_shared>>
        %dma_start3A_55 = arith.constant 0 : i32
        %dma_start3A_56 = tpu.memref_slice %arg9[%add3A_49, %dma_start3A_55] : memref<131072x8xf32, #tpu.memory_space<vmem_shared>> -> memref<1024x8xf32, #tpu.memory_space<vmem_shared>>
        tpu.enqueue_dma source(%dma_start3A_56 : memref<1024x8xf32, #tpu.memory_space<vmem_shared>>) target(%arg16 : memref<1024x8xf32, #tpu.memory_space<vmem>>) target_semaphore(%run_scoped3A : memref<!tpu.dma_semaphore, #tpu.memory_space<semaphore_mem>>)
        %dma_wait3A = arith.constant 0 : i32
        %dma_wait3A_57 = tpu.memref_slice %arg9[%add3A_49, %dma_wait3A] : memref<131072x8xf32, #tpu.memory_space<vmem_shared>> -> memref<1024x8xf32, #tpu.memory_space<vmem_shared>>
        %dma_wait3A_58 = arith.constant 0 : i32
        %dma_wait3A_59 = tpu.memref_slice %arg9[%add3A_49, %dma_wait3A_58] : memref<131072x8xf32, #tpu.memory_space<vmem_shared>> -> memref<1024x8xf32, #tpu.memory_space<vmem_shared>>
        tpu.wait_dma2 semaphore(%run_scoped3A : memref<!tpu.dma_semaphore, #tpu.memory_space<semaphore_mem>>) src(%dma_wait3A_59 : memref<1024x8xf32, #tpu.memory_space<vmem_shared>>) dst(%arg16 : memref<1024x8xf32, #tpu.memory_space<vmem>>)
        tpu.yield
      }) : () -> ()
      "tpu.region"() ({
        %run_scoped3A = tpu.sem_alloc : memref<!tpu.dma_semaphore, #tpu.memory_space<semaphore_mem>>
        %dma_start3A = arith.constant 0 : i32
        %dma_start3A_54 = tpu.memref_slice %arg7[%add3A_13, %add3A_49, %dma_start3A] : memref<10x131072x8xf32, #tpu.memory_space<hbm>> -> memref<1x1024x8xf32, #tpu.memory_space<hbm>>
        %dma_start3A_55 = tpu.memref_squeeze %dma_start3A_54 : memref<1x1024x8xf32, #tpu.memory_space<hbm>> -> memref<1024x8xf32, #tpu.memory_space<hbm>>
        %dma_start3A_56 = arith.constant 0 : i32
        %dma_start3A_57 = tpu.memref_slice %arg7[%add3A_13, %add3A_49, %dma_start3A_56] : memref<10x131072x8xf32, #tpu.memory_space<hbm>> -> memref<1x1024x8xf32, #tpu.memory_space<hbm>>
        %dma_start3A_58 = tpu.memref_squeeze %dma_start3A_57 : memref<1x1024x8xf32, #tpu.memory_space<hbm>> -> memref<1024x8xf32, #tpu.memory_space<hbm>>
        tpu.enqueue_dma source(%arg16 : memref<1024x8xf32, #tpu.memory_space<vmem>>) target(%dma_start3A_58 : memref<1024x8xf32, #tpu.memory_space<hbm>>) target_semaphore(%run_scoped3A : memref<!tpu.dma_semaphore, #tpu.memory_space<semaphore_mem>>)
        %dma_wait3A = arith.constant 0 : i32
        %dma_wait3A_59 = tpu.memref_slice %arg7[%add3A_13, %add3A_49, %dma_wait3A] : memref<10x131072x8xf32, #tpu.memory_space<hbm>> -> memref<1x1024x8xf32, #tpu.memory_space<hbm>>
        %dma_wait3A_60 = tpu.memref_squeeze %dma_wait3A_59 : memref<1x1024x8xf32, #tpu.memory_space<hbm>> -> memref<1024x8xf32, #tpu.memory_space<hbm>>
        %dma_wait3A_61 = arith.constant 0 : i32
        %dma_wait3A_62 = tpu.memref_slice %arg7[%add3A_13, %add3A_49, %dma_wait3A_61] : memref<10x131072x8xf32, #tpu.memory_space<hbm>> -> memref<1x1024x8xf32, #tpu.memory_space<hbm>>
        %dma_wait3A_63 = tpu.memref_squeeze %dma_wait3A_62 : memref<1x1024x8xf32, #tpu.memory_space<hbm>> -> memref<1024x8xf32, #tpu.memory_space<hbm>>
        tpu.wait_dma2 semaphore(%run_scoped3A : memref<!tpu.dma_semaphore, #tpu.memory_space<semaphore_mem>>) src(%arg16 : memref<1024x8xf32, #tpu.memory_space<vmem>>) dst(%dma_wait3A_63 : memref<1024x8xf32, #tpu.memory_space<hbm>>)
        tpu.yield
      }) : () -> ()
      %add3A_50 = arith.constant 7168 : i32
      %add3A_51 = arith.addi %mul3A_0, %add3A_50 : i32
      "tpu.region"() ({
        %run_scoped3A = tpu.sem_alloc : memref<!tpu.dma_semaphore, #tpu.memory_space<semaphore_mem>>
        %dma_start3A = arith.constant 0 : i32
        %dma_start3A_54 = tpu.memref_slice %arg9[%add3A_51, %dma_start3A] : memref<131072x8xf32, #tpu.memory_space<vmem_shared>> -> memref<1024x8xf32, #tpu.memory_space<vmem_shared>>
        %dma_start3A_55 = arith.constant 0 : i32
        %dma_start3A_56 = tpu.memref_slice %arg9[%add3A_51, %dma_start3A_55] : memref<131072x8xf32, #tpu.memory_space<vmem_shared>> -> memref<1024x8xf32, #tpu.memory_space<vmem_shared>>
        tpu.enqueue_dma source(%dma_start3A_56 : memref<1024x8xf32, #tpu.memory_space<vmem_shared>>) target(%arg16 : memref<1024x8xf32, #tpu.memory_space<vmem>>) target_semaphore(%run_scoped3A : memref<!tpu.dma_semaphore, #tpu.memory_space<semaphore_mem>>)
        %dma_wait3A = arith.constant 0 : i32
        %dma_wait3A_57 = tpu.memref_slice %arg9[%add3A_51, %dma_wait3A] : memref<131072x8xf32, #tpu.memory_space<vmem_shared>> -> memref<1024x8xf32, #tpu.memory_space<vmem_shared>>
        %dma_wait3A_58 = arith.constant 0 : i32
        %dma_wait3A_59 = tpu.memref_slice %arg9[%add3A_51, %dma_wait3A_58] : memref<131072x8xf32, #tpu.memory_space<vmem_shared>> -> memref<1024x8xf32, #tpu.memory_space<vmem_shared>>
        tpu.wait_dma2 semaphore(%run_scoped3A : memref<!tpu.dma_semaphore, #tpu.memory_space<semaphore_mem>>) src(%dma_wait3A_59 : memref<1024x8xf32, #tpu.memory_space<vmem_shared>>) dst(%arg16 : memref<1024x8xf32, #tpu.memory_space<vmem>>)
        tpu.yield
      }) : () -> ()
      "tpu.region"() ({
        %run_scoped3A = tpu.sem_alloc : memref<!tpu.dma_semaphore, #tpu.memory_space<semaphore_mem>>
        %dma_start3A = arith.constant 0 : i32
        %dma_start3A_54 = tpu.memref_slice %arg7[%add3A_13, %add3A_51, %dma_start3A] : memref<10x131072x8xf32, #tpu.memory_space<hbm>> -> memref<1x1024x8xf32, #tpu.memory_space<hbm>>
        %dma_start3A_55 = tpu.memref_squeeze %dma_start3A_54 : memref<1x1024x8xf32, #tpu.memory_space<hbm>> -> memref<1024x8xf32, #tpu.memory_space<hbm>>
        %dma_start3A_56 = arith.constant 0 : i32
        %dma_start3A_57 = tpu.memref_slice %arg7[%add3A_13, %add3A_51, %dma_start3A_56] : memref<10x131072x8xf32, #tpu.memory_space<hbm>> -> memref<1x1024x8xf32, #tpu.memory_space<hbm>>
        %dma_start3A_58 = tpu.memref_squeeze %dma_start3A_57 : memref<1x1024x8xf32, #tpu.memory_space<hbm>> -> memref<1024x8xf32, #tpu.memory_space<hbm>>
        tpu.enqueue_dma source(%arg16 : memref<1024x8xf32, #tpu.memory_space<vmem>>) target(%dma_start3A_58 : memref<1024x8xf32, #tpu.memory_space<hbm>>) target_semaphore(%run_scoped3A : memref<!tpu.dma_semaphore, #tpu.memory_space<semaphore_mem>>)
        %dma_wait3A = arith.constant 0 : i32
        %dma_wait3A_59 = tpu.memref_slice %arg7[%add3A_13, %add3A_51, %dma_wait3A] : memref<10x131072x8xf32, #tpu.memory_space<hbm>> -> memref<1x1024x8xf32, #tpu.memory_space<hbm>>
        %dma_wait3A_60 = tpu.memref_squeeze %dma_wait3A_59 : memref<1x1024x8xf32, #tpu.memory_space<hbm>> -> memref<1024x8xf32, #tpu.memory_space<hbm>>
        %dma_wait3A_61 = arith.constant 0 : i32
        %dma_wait3A_62 = tpu.memref_slice %arg7[%add3A_13, %add3A_51, %dma_wait3A_61] : memref<10x131072x8xf32, #tpu.memory_space<hbm>> -> memref<1x1024x8xf32, #tpu.memory_space<hbm>>
        %dma_wait3A_63 = tpu.memref_squeeze %dma_wait3A_62 : memref<1x1024x8xf32, #tpu.memory_space<hbm>> -> memref<1024x8xf32, #tpu.memory_space<hbm>>
        tpu.wait_dma2 semaphore(%run_scoped3A : memref<!tpu.dma_semaphore, #tpu.memory_space<semaphore_mem>>) src(%arg16 : memref<1024x8xf32, #tpu.memory_space<vmem>>) dst(%dma_wait3A_63 : memref<1024x8xf32, #tpu.memory_space<hbm>>)
        tpu.yield
      }) : () -> ()
      %eq3A = arith.constant 0 : i32
      %eq3A_52 = arith.cmpi eq, %add3A_10, %eq3A : i32
      %convert_element_type3A = arith.extui %eq3A_52 : i1 to i32
      %cond3A = arith.constant 0 : i32
      %cond3A_53 = arith.cmpi ne, %convert_element_type3A, %cond3A : i32
      scf.if %cond3A_53 {
        "tpu.region"() ({
          %run_scoped3A = tpu.sem_alloc : memref<!tpu.dma_semaphore, #tpu.memory_space<semaphore_mem>>
          %dma_start3A = tpu.memref_slice %arg10[%mul3A_0] : memref<131072xf32, #tpu.memory_space<vmem_shared>> -> memref<8192xf32, #tpu.memory_space<vmem_shared>>
          %dma_start3A_57 = tpu.memref_slice %arg10[%mul3A_0] : memref<131072xf32, #tpu.memory_space<vmem_shared>> -> memref<8192xf32, #tpu.memory_space<vmem_shared>>
          tpu.enqueue_dma source(%dma_start3A_57 : memref<8192xf32, #tpu.memory_space<vmem_shared>>) target(%arg15 : memref<8192xf32, #tpu.memory_space<vmem>>) target_semaphore(%run_scoped3A : memref<!tpu.dma_semaphore, #tpu.memory_space<semaphore_mem>>)
          %dma_wait3A = tpu.memref_slice %arg10[%mul3A_0] : memref<131072xf32, #tpu.memory_space<vmem_shared>> -> memref<8192xf32, #tpu.memory_space<vmem_shared>>
          %dma_wait3A_58 = tpu.memref_slice %arg10[%mul3A_0] : memref<131072xf32, #tpu.memory_space<vmem_shared>> -> memref<8192xf32, #tpu.memory_space<vmem_shared>>
          tpu.wait_dma2 semaphore(%run_scoped3A : memref<!tpu.dma_semaphore, #tpu.memory_space<semaphore_mem>>) src(%dma_wait3A_58 : memref<8192xf32, #tpu.memory_space<vmem_shared>>) dst(%arg15 : memref<8192xf32, #tpu.memory_space<vmem>>)
          tpu.yield
        }) : () -> ()
        %mul3A_54 = arith.constant 131072 : i32
        %mul3A_55 = arith.muli %arg0, %mul3A_54 : i32
        %add3A_56 = arith.addi %mul3A_55, %mul3A_0 : i32
        "tpu.region"() ({
          %run_scoped3A = tpu.sem_alloc : memref<!tpu.dma_semaphore, #tpu.memory_space<semaphore_mem>>
          %dma_start3A = tpu.memref_slice %arg8[%add3A_56] : memref<262144xf32, #tpu.memory_space<hbm>> -> memref<8192xf32, #tpu.memory_space<hbm>>
          %dma_start3A_57 = tpu.memref_slice %arg8[%add3A_56] : memref<262144xf32, #tpu.memory_space<hbm>> -> memref<8192xf32, #tpu.memory_space<hbm>>
          tpu.enqueue_dma source(%arg15 : memref<8192xf32, #tpu.memory_space<vmem>>) target(%dma_start3A_57 : memref<8192xf32, #tpu.memory_space<hbm>>) target_semaphore(%run_scoped3A : memref<!tpu.dma_semaphore, #tpu.memory_space<semaphore_mem>>)
          %dma_wait3A = tpu.memref_slice %arg8[%add3A_56] : memref<262144xf32, #tpu.memory_space<hbm>> -> memref<8192xf32, #tpu.memory_space<hbm>>
          %dma_wait3A_58 = tpu.memref_slice %arg8[%add3A_56] : memref<262144xf32, #tpu.memory_space<hbm>> -> memref<8192xf32, #tpu.memory_space<hbm>>
          tpu.wait_dma2 semaphore(%run_scoped3A : memref<!tpu.dma_semaphore, #tpu.memory_space<semaphore_mem>>) src(%arg15 : memref<8192xf32, #tpu.memory_space<vmem>>) dst(%dma_wait3A_58 : memref<8192xf32, #tpu.memory_space<hbm>>)
          tpu.yield
        }) : () -> ()
      } else {
      }
    }
    %scan3A_6 = arith.constant 5 : i32
    return
  }
}

module attributes {stable_mosaic.version = 14 : i64} {
  func.func @_index_kernel(%arg0: i32, %arg1: memref<792x128xf32, #tpu.memory_space<vmem>>, %arg2: memref<792x128xf32, #tpu.memory_space<vmem>>, %arg3: memref<792x128xf32, #tpu.memory_space<vmem>>, %arg4: memref<792x128xi32, #tpu.memory_space<vmem>>) attributes {dimension_semantics = [#tpu.dimension_semantics<arbitrary>], iteration_bounds = array<i64: 5>, scalar_prefetch = 0 : i64, scratch_operands = 0 : i64, tpu.core_type = #tpu.core_type<tc>, window_params = [{transform_indices = @transform_0, window_bounds = array<i64: 792, 128>}, {transform_indices = @transform_1, window_bounds = array<i64: 792, 128>}, {transform_indices = @transform_2, window_bounds = array<i64: 792, 128>}, {transform_indices = @transform_3, window_bounds = array<i64: 792, 128>}]} {
    %get3A = arith.constant 0 : index
    %get3A_0 = arith.constant 0 : index
    %get3A_1 = vector.load %arg1[%get3A, %get3A_0] : memref<792x128xf32, #tpu.memory_space<vmem>>, vector<792x128xf32>
    %get3A_2 = arith.constant 0 : index
    %get3A_3 = arith.constant 0 : index
    %get3A_4 = vector.load %arg2[%get3A_2, %get3A_3] : memref<792x128xf32, #tpu.memory_space<vmem>>, vector<792x128xf32>
    %get3A_5 = arith.constant 0 : index
    %get3A_6 = arith.constant 0 : index
    %get3A_7 = vector.load %arg3[%get3A_5, %get3A_6] : memref<792x128xf32, #tpu.memory_space<vmem>>, vector<792x128xf32>
    %sub3A = arith.constant -5.400000e+01 : f32
    %sub3A_8 = vector.broadcast %sub3A : f32 to vector<792x128xf32>
    %sub3A_9 = arith.subf %get3A_1, %sub3A_8 : vector<792x128xf32>
    %div3A = arith.constant 3.000000e-01 : f32
    %div3A_10 = vector.broadcast %div3A : f32 to vector<792x128xf32>
    %div3A_11 = arith.divf %sub3A_9, %div3A_10 : vector<792x128xf32>
    %lt3A = arith.constant 0.000000e+00 : f32
    %lt3A_12 = vector.broadcast %lt3A : f32 to vector<792x128xf32>
    %lt3A_13 = arith.cmpf olt, %div3A_11, %lt3A_12 : vector<792x128xf32>
    %ceil3A = math.ceil %div3A_11 : vector<792x128xf32>
    %floor3A = math.floor %div3A_11 : vector<792x128xf32>
    %select_n3A = arith.select %lt3A_13, %ceil3A, %floor3A : vector<792x128xi1>, vector<792x128xf32>
    %sub3A_14 = arith.constant -5.400000e+01 : f32
    %sub3A_15 = vector.broadcast %sub3A_14 : f32 to vector<792x128xf32>
    %sub3A_16 = arith.subf %get3A_4, %sub3A_15 : vector<792x128xf32>
    %div3A_17 = arith.constant 3.000000e-01 : f32
    %div3A_18 = vector.broadcast %div3A_17 : f32 to vector<792x128xf32>
    %div3A_19 = arith.divf %sub3A_16, %div3A_18 : vector<792x128xf32>
    %lt3A_20 = arith.constant 0.000000e+00 : f32
    %lt3A_21 = vector.broadcast %lt3A_20 : f32 to vector<792x128xf32>
    %lt3A_22 = arith.cmpf olt, %div3A_19, %lt3A_21 : vector<792x128xf32>
    %ceil3A_23 = math.ceil %div3A_19 : vector<792x128xf32>
    %floor3A_24 = math.floor %div3A_19 : vector<792x128xf32>
    %select_n3A_25 = arith.select %lt3A_22, %ceil3A_23, %floor3A_24 : vector<792x128xi1>, vector<792x128xf32>
    %sub3A_26 = arith.constant -1.000000e+01 : f32
    %sub3A_27 = vector.broadcast %sub3A_26 : f32 to vector<792x128xf32>
    %sub3A_28 = arith.subf %get3A_7, %sub3A_27 : vector<792x128xf32>
    %div3A_29 = arith.constant 2.000000e+01 : f32
    %div3A_30 = vector.broadcast %div3A_29 : f32 to vector<792x128xf32>
    %div3A_31 = arith.divf %sub3A_28, %div3A_30 : vector<792x128xf32>
    %lt3A_32 = arith.constant 0.000000e+00 : f32
    %lt3A_33 = vector.broadcast %lt3A_32 : f32 to vector<792x128xf32>
    %lt3A_34 = arith.cmpf olt, %div3A_31, %lt3A_33 : vector<792x128xf32>
    %ceil3A_35 = math.ceil %div3A_31 : vector<792x128xf32>
    %floor3A_36 = math.floor %div3A_31 : vector<792x128xf32>
    %select_n3A_37 = arith.select %lt3A_34, %ceil3A_35, %floor3A_36 : vector<792x128xi1>, vector<792x128xf32>
    %convert_element_type3A = arith.fptosi %select_n3A : vector<792x128xf32> to vector<792x128xi32>
    %convert_element_type3A_38 = arith.fptosi %select_n3A_25 : vector<792x128xf32> to vector<792x128xi32>
    %ge3A = arith.constant 0.000000e+00 : f32
    %ge3A_39 = vector.broadcast %ge3A : f32 to vector<792x128xf32>
    %ge3A_40 = arith.cmpf oge, %select_n3A, %ge3A_39 : vector<792x128xf32>
    %lt3A_41 = arith.constant 3.600000e+02 : f32
    %lt3A_42 = vector.broadcast %lt3A_41 : f32 to vector<792x128xf32>
    %lt3A_43 = arith.cmpf olt, %select_n3A, %lt3A_42 : vector<792x128xf32>
    %and3A = arith.andi %ge3A_40, %lt3A_43 : vector<792x128xi1>
    %ge3A_44 = arith.constant 0.000000e+00 : f32
    %ge3A_45 = vector.broadcast %ge3A_44 : f32 to vector<792x128xf32>
    %ge3A_46 = arith.cmpf oge, %select_n3A_25, %ge3A_45 : vector<792x128xf32>
    %and3A_47 = arith.andi %and3A, %ge3A_46 : vector<792x128xi1>
    %lt3A_48 = arith.constant 3.600000e+02 : f32
    %lt3A_49 = vector.broadcast %lt3A_48 : f32 to vector<792x128xf32>
    %lt3A_50 = arith.cmpf olt, %select_n3A_25, %lt3A_49 : vector<792x128xf32>
    %and3A_51 = arith.andi %and3A_47, %lt3A_50 : vector<792x128xi1>
    %ge3A_52 = arith.constant 0.000000e+00 : f32
    %ge3A_53 = vector.broadcast %ge3A_52 : f32 to vector<792x128xf32>
    %ge3A_54 = arith.cmpf oge, %select_n3A_37, %ge3A_53 : vector<792x128xf32>
    %and3A_55 = arith.andi %and3A_51, %ge3A_54 : vector<792x128xi1>
    %lt3A_56 = arith.constant 1.000000e+00 : f32
    %lt3A_57 = vector.broadcast %lt3A_56 : f32 to vector<792x128xf32>
    %lt3A_58 = arith.cmpf olt, %select_n3A_37, %lt3A_57 : vector<792x128xf32>
    %and3A_59 = arith.andi %and3A_55, %lt3A_58 : vector<792x128xi1>
    %mul3A = arith.constant 101376 : i32
    %mul3A_60 = arith.muli %arg0, %mul3A : i32
    %iota3A = tpu.iota {dimensions = array<i32: 0>} : vector<792x128xi32>
    %mul3A_61 = arith.constant 128 : i32
    %mul3A_62 = vector.broadcast %mul3A_61 : i32 to vector<792x128xi32>
    %mul3A_63 = arith.muli %iota3A, %mul3A_62 : vector<792x128xi32>
    %add3A = vector.broadcast %mul3A_60 : i32 to vector<792x128xi32>
    %add3A_64 = arith.addi %add3A, %mul3A_63 : vector<792x128xi32>
    %iota3A_65 = tpu.iota {dimensions = array<i32: 1>} : vector<792x128xi32>
    %add3A_66 = arith.addi %add3A_64, %iota3A_65 : vector<792x128xi32>
    %jit3A = arith.constant 1408 : i32
    %eq3A = arith.constant 0 : i32
    %eq3A_67 = arith.cmpi eq, %jit3A, %eq3A : i32
    %jit3A_68 = arith.constant 1 : i32
    %select_n3A_69 = arith.select %eq3A_67, %jit3A_68, %jit3A : i32
    %rem3A = vector.broadcast %select_n3A_69 : i32 to vector<792x128xi32>
    %rem3A_70 = arith.remsi %add3A_66, %rem3A : vector<792x128xi32>
    %ne3A = arith.constant 0 : i32
    %ne3A_71 = vector.broadcast %ne3A : i32 to vector<792x128xi32>
    %ne3A_72 = arith.cmpi ne, %rem3A_70, %ne3A_71 : vector<792x128xi32>
    %lt3A_73 = arith.constant 0 : i32
    %lt3A_74 = vector.broadcast %lt3A_73 : i32 to vector<792x128xi32>
    %lt3A_75 = arith.cmpi slt, %rem3A_70, %lt3A_74 : vector<792x128xi32>
    %lt3A_76 = arith.constant 0 : i32
    %lt3A_77 = arith.cmpi slt, %select_n3A_69, %lt3A_76 : i32
    %ne3A_78 = vector.broadcast %lt3A_77 : i1 to vector<792x128xi1>
    %ne3A_79 = vector.broadcast %ne3A_78 : vector<792x128xi1> to vector<792x128xi1>
    %ne3A_80 = arith.xori %lt3A_75, %ne3A_79 : vector<792x128xi1>
    %and3A_81 = arith.andi %ne3A_80, %ne3A_72 : vector<792x128xi1>
    %add3A_82 = vector.broadcast %select_n3A_69 : i32 to vector<792x128xi32>
    %add3A_83 = arith.addi %rem3A_70, %add3A_82 : vector<792x128xi32>
    %select_n3A_84 = arith.select %and3A_81, %add3A_83, %rem3A_70 : vector<792x128xi1>, vector<792x128xi32>
    %add3A_85 = arith.constant 129600 : i32
    %add3A_86 = vector.broadcast %add3A_85 : i32 to vector<792x128xi32>
    %add3A_87 = arith.addi %add3A_86, %select_n3A_84 : vector<792x128xi32>
    %mul3A_88 = arith.constant 360 : i32
    %mul3A_89 = vector.broadcast %mul3A_88 : i32 to vector<792x128xi32>
    %mul3A_90 = arith.muli %convert_element_type3A, %mul3A_89 : vector<792x128xi32>
    %add3A_91 = arith.addi %mul3A_90, %convert_element_type3A_38 : vector<792x128xi32>
    %select_n3A_92 = arith.select %and3A_59, %add3A_91, %add3A_87 : vector<792x128xi1>, vector<792x128xi32>
    %swap3A = arith.constant 0 : index
    %swap3A_93 = arith.constant 0 : index
    %swap3A_94 = vector.load %arg4[%swap3A, %swap3A_93] : memref<792x128xi32, #tpu.memory_space<vmem>>, vector<792x128xi32>
    tpu.vector_store %arg4[%swap3A, %swap3A_93], %select_n3A_92 {strides = array<i32>} : memref<792x128xi32, #tpu.memory_space<vmem>>, vector<792x128xi32>,
    return
  }
  func.func @transform_0(%arg0: i32) -> (i32, i32) {
    %c0_i32 = arith.constant 0 : i32
    %c0_i32_0 = arith.constant 0 : i32
    return %arg0, %c0_i32 : i32, i32
  }
  func.func @transform_1(%arg0: i32) -> (i32, i32) {
    %c0_i32 = arith.constant 0 : i32
    %c0_i32_0 = arith.constant 0 : i32
    return %arg0, %c0_i32 : i32, i32
  }
  func.func @transform_2(%arg0: i32) -> (i32, i32) {
    %c0_i32 = arith.constant 0 : i32
    %c0_i32_0 = arith.constant 0 : i32
    return %arg0, %c0_i32 : i32, i32
  }
  func.func @transform_3(%arg0: i32) -> (i32, i32) {
    %c0_i32 = arith.constant 0 : i32
    %c0_i32_0 = arith.constant 0 : i32
    return %arg0, %c0_i32 : i32, i32
  }
}

module attributes {stable_mosaic.version = 14 : i64} {
  func.func @_mean_kernel(%arg0: i32, %arg1: memref<10x128x8xf32, #tpu.memory_space<vmem>>, %arg2: memref<2x128xf32, #tpu.memory_space<vmem>>, %arg3: memref<80x128xf32, #tpu.memory_space<vmem>>) attributes {dimension_semantics = [#tpu.dimension_semantics<arbitrary>], iteration_bounds = array<i64: 1024>, scalar_prefetch = 0 : i64, scratch_operands = 0 : i64, tpu.core_type = #tpu.core_type<tc>, window_params = [{transform_indices = @transform_0, window_bounds = array<i64: 10, 128, 8>}, {transform_indices = @transform_1, window_bounds = array<i64: 2, 128>}, {transform_indices = @transform_2, window_bounds = array<i64: 80, 128>}]} {
    %get3A = arith.constant 0 : index
    %get3A_0 = arith.constant 0 : index
    %get3A_1 = vector.load %arg2[%get3A, %get3A_0] : memref<2x128xf32, #tpu.memory_space<vmem>>, vector<1x128xf32>
    %get3A_2 = arith.constant 1 : index
    %get3A_3 = arith.constant 0 : index
    %get3A_4 = vector.load %arg2[%get3A_2, %get3A_3] : memref<2x128xf32, #tpu.memory_space<vmem>>, vector<1x128xf32>
    %add3A = arith.addf %get3A_1, %get3A_4 : vector<1x128xf32>
    %gt3A = arith.constant 0.000000e+00 : f32
    %gt3A_5 = vector.broadcast %gt3A : f32 to vector<1x128xf32>
    %gt3A_6 = arith.cmpf ogt, %add3A, %gt3A_5 : vector<1x128xf32>
    %jit3A = arith.constant 1.000000e+00 : f32
    %broadcast_in_dim3A = vector.broadcast %jit3A : f32 to vector<1x128xf32>
    %select_n3A = arith.select %gt3A_6, %add3A, %broadcast_in_dim3A : vector<1x128xi1>, vector<1x128xf32>
    %get3A_7 = arith.constant 0 : index
    %get3A_8 = arith.constant 0 : index
    %get3A_9 = arith.constant 0 : index
    %get3A_10 = vector.load %arg1[%get3A_7, %get3A_8, %get3A_9] : memref<10x128x8xf32, #tpu.memory_space<vmem>>, vector<1x128x8xf32>
    %get3A_11 = vector.shape_cast %get3A_10 : vector<1x128x8xf32> to vector<128x8xf32>
    %transpose3A = tpu.transpose %get3A_11, [1, 0] : vector<128x8xf32> -> vector<8x128xf32>
    %div3A = vector.broadcast %select_n3A : vector<1x128xf32> to vector<8x128xf32>
    %div3A_12 = arith.divf %transpose3A, %div3A : vector<8x128xf32>
    %swap3A = arith.constant 0 : index
    %swap3A_13 = arith.constant 0 : index
    %swap3A_14 = vector.load %arg3[%swap3A, %swap3A_13] : memref<80x128xf32, #tpu.memory_space<vmem>>, vector<8x128xf32>
    tpu.vector_store %arg3[%swap3A, %swap3A_13], %div3A_12 {strides = array<i32>} : memref<80x128xf32, #tpu.memory_space<vmem>>, vector<8x128xf32>,
    %get3A_15 = arith.constant 1 : index
    %get3A_16 = arith.constant 0 : index
    %get3A_17 = arith.constant 0 : index
    %get3A_18 = vector.load %arg1[%get3A_15, %get3A_16, %get3A_17] : memref<10x128x8xf32, #tpu.memory_space<vmem>>, vector<1x128x8xf32>
    %get3A_19 = vector.shape_cast %get3A_18 : vector<1x128x8xf32> to vector<128x8xf32>
    %transpose3A_20 = tpu.transpose %get3A_19, [1, 0] : vector<128x8xf32> -> vector<8x128xf32>
    %div3A_21 = vector.broadcast %select_n3A : vector<1x128xf32> to vector<8x128xf32>
    %div3A_22 = arith.divf %transpose3A_20, %div3A_21 : vector<8x128xf32>
    %swap3A_23 = arith.constant 8 : index
    %swap3A_24 = arith.constant 0 : index
    %swap3A_25 = vector.load %arg3[%swap3A_23, %swap3A_24] : memref<80x128xf32, #tpu.memory_space<vmem>>, vector<8x128xf32>
    tpu.vector_store %arg3[%swap3A_23, %swap3A_24], %div3A_22 {strides = array<i32>} : memref<80x128xf32, #tpu.memory_space<vmem>>, vector<8x128xf32>,
    %get3A_26 = arith.constant 2 : index
    %get3A_27 = arith.constant 0 : index
    %get3A_28 = arith.constant 0 : index
    %get3A_29 = vector.load %arg1[%get3A_26, %get3A_27, %get3A_28] : memref<10x128x8xf32, #tpu.memory_space<vmem>>, vector<1x128x8xf32>
    %get3A_30 = vector.shape_cast %get3A_29 : vector<1x128x8xf32> to vector<128x8xf32>
    %transpose3A_31 = tpu.transpose %get3A_30, [1, 0] : vector<128x8xf32> -> vector<8x128xf32>
    %div3A_32 = vector.broadcast %select_n3A : vector<1x128xf32> to vector<8x128xf32>
    %div3A_33 = arith.divf %transpose3A_31, %div3A_32 : vector<8x128xf32>
    %swap3A_34 = arith.constant 16 : index
    %swap3A_35 = arith.constant 0 : index
    %swap3A_36 = vector.load %arg3[%swap3A_34, %swap3A_35] : memref<80x128xf32, #tpu.memory_space<vmem>>, vector<8x128xf32>
    tpu.vector_store %arg3[%swap3A_34, %swap3A_35], %div3A_33 {strides = array<i32>} : memref<80x128xf32, #tpu.memory_space<vmem>>, vector<8x128xf32>,
    %get3A_37 = arith.constant 3 : index
    %get3A_38 = arith.constant 0 : index
    %get3A_39 = arith.constant 0 : index
    %get3A_40 = vector.load %arg1[%get3A_37, %get3A_38, %get3A_39] : memref<10x128x8xf32, #tpu.memory_space<vmem>>, vector<1x128x8xf32>
    %get3A_41 = vector.shape_cast %get3A_40 : vector<1x128x8xf32> to vector<128x8xf32>
    %transpose3A_42 = tpu.transpose %get3A_41, [1, 0] : vector<128x8xf32> -> vector<8x128xf32>
    %div3A_43 = vector.broadcast %select_n3A : vector<1x128xf32> to vector<8x128xf32>
    %div3A_44 = arith.divf %transpose3A_42, %div3A_43 : vector<8x128xf32>
    %swap3A_45 = arith.constant 24 : index
    %swap3A_46 = arith.constant 0 : index
    %swap3A_47 = vector.load %arg3[%swap3A_45, %swap3A_46] : memref<80x128xf32, #tpu.memory_space<vmem>>, vector<8x128xf32>
    tpu.vector_store %arg3[%swap3A_45, %swap3A_46], %div3A_44 {strides = array<i32>} : memref<80x128xf32, #tpu.memory_space<vmem>>, vector<8x128xf32>,
    %get3A_48 = arith.constant 4 : index
    %get3A_49 = arith.constant 0 : index
    %get3A_50 = arith.constant 0 : index
    %get3A_51 = vector.load %arg1[%get3A_48, %get3A_49, %get3A_50] : memref<10x128x8xf32, #tpu.memory_space<vmem>>, vector<1x128x8xf32>
    %get3A_52 = vector.shape_cast %get3A_51 : vector<1x128x8xf32> to vector<128x8xf32>
    %transpose3A_53 = tpu.transpose %get3A_52, [1, 0] : vector<128x8xf32> -> vector<8x128xf32>
    %div3A_54 = vector.broadcast %select_n3A : vector<1x128xf32> to vector<8x128xf32>
    %div3A_55 = arith.divf %transpose3A_53, %div3A_54 : vector<8x128xf32>
    %swap3A_56 = arith.constant 32 : index
    %swap3A_57 = arith.constant 0 : index
    %swap3A_58 = vector.load %arg3[%swap3A_56, %swap3A_57] : memref<80x128xf32, #tpu.memory_space<vmem>>, vector<8x128xf32>
    tpu.vector_store %arg3[%swap3A_56, %swap3A_57], %div3A_55 {strides = array<i32>} : memref<80x128xf32, #tpu.memory_space<vmem>>, vector<8x128xf32>,
    %get3A_59 = arith.constant 5 : index
    %get3A_60 = arith.constant 0 : index
    %get3A_61 = arith.constant 0 : index
    %get3A_62 = vector.load %arg1[%get3A_59, %get3A_60, %get3A_61] : memref<10x128x8xf32, #tpu.memory_space<vmem>>, vector<1x128x8xf32>
    %get3A_63 = vector.shape_cast %get3A_62 : vector<1x128x8xf32> to vector<128x8xf32>
    %transpose3A_64 = tpu.transpose %get3A_63, [1, 0] : vector<128x8xf32> -> vector<8x128xf32>
    %div3A_65 = vector.broadcast %select_n3A : vector<1x128xf32> to vector<8x128xf32>
    %div3A_66 = arith.divf %transpose3A_64, %div3A_65 : vector<8x128xf32>
    %swap3A_67 = arith.constant 40 : index
    %swap3A_68 = arith.constant 0 : index
    %swap3A_69 = vector.load %arg3[%swap3A_67, %swap3A_68] : memref<80x128xf32, #tpu.memory_space<vmem>>, vector<8x128xf32>
    tpu.vector_store %arg3[%swap3A_67, %swap3A_68], %div3A_66 {strides = array<i32>} : memref<80x128xf32, #tpu.memory_space<vmem>>, vector<8x128xf32>,
    %get3A_70 = arith.constant 6 : index
    %get3A_71 = arith.constant 0 : index
    %get3A_72 = arith.constant 0 : index
    %get3A_73 = vector.load %arg1[%get3A_70, %get3A_71, %get3A_72] : memref<10x128x8xf32, #tpu.memory_space<vmem>>, vector<1x128x8xf32>
    %get3A_74 = vector.shape_cast %get3A_73 : vector<1x128x8xf32> to vector<128x8xf32>
    %transpose3A_75 = tpu.transpose %get3A_74, [1, 0] : vector<128x8xf32> -> vector<8x128xf32>
    %div3A_76 = vector.broadcast %select_n3A : vector<1x128xf32> to vector<8x128xf32>
    %div3A_77 = arith.divf %transpose3A_75, %div3A_76 : vector<8x128xf32>
    %swap3A_78 = arith.constant 48 : index
    %swap3A_79 = arith.constant 0 : index
    %swap3A_80 = vector.load %arg3[%swap3A_78, %swap3A_79] : memref<80x128xf32, #tpu.memory_space<vmem>>, vector<8x128xf32>
    tpu.vector_store %arg3[%swap3A_78, %swap3A_79], %div3A_77 {strides = array<i32>} : memref<80x128xf32, #tpu.memory_space<vmem>>, vector<8x128xf32>,
    %get3A_81 = arith.constant 7 : index
    %get3A_82 = arith.constant 0 : index
    %get3A_83 = arith.constant 0 : index
    %get3A_84 = vector.load %arg1[%get3A_81, %get3A_82, %get3A_83] : memref<10x128x8xf32, #tpu.memory_space<vmem>>, vector<1x128x8xf32>
    %get3A_85 = vector.shape_cast %get3A_84 : vector<1x128x8xf32> to vector<128x8xf32>
    %transpose3A_86 = tpu.transpose %get3A_85, [1, 0] : vector<128x8xf32> -> vector<8x128xf32>
    %div3A_87 = vector.broadcast %select_n3A : vector<1x128xf32> to vector<8x128xf32>
    %div3A_88 = arith.divf %transpose3A_86, %div3A_87 : vector<8x128xf32>
    %swap3A_89 = arith.constant 56 : index
    %swap3A_90 = arith.constant 0 : index
    %swap3A_91 = vector.load %arg3[%swap3A_89, %swap3A_90] : memref<80x128xf32, #tpu.memory_space<vmem>>, vector<8x128xf32>
    tpu.vector_store %arg3[%swap3A_89, %swap3A_90], %div3A_88 {strides = array<i32>} : memref<80x128xf32, #tpu.memory_space<vmem>>, vector<8x128xf32>,
    %get3A_92 = arith.constant 8 : index
    %get3A_93 = arith.constant 0 : index
    %get3A_94 = arith.constant 0 : index
    %get3A_95 = vector.load %arg1[%get3A_92, %get3A_93, %get3A_94] : memref<10x128x8xf32, #tpu.memory_space<vmem>>, vector<1x128x8xf32>
    %get3A_96 = vector.shape_cast %get3A_95 : vector<1x128x8xf32> to vector<128x8xf32>
    %transpose3A_97 = tpu.transpose %get3A_96, [1, 0] : vector<128x8xf32> -> vector<8x128xf32>
    %div3A_98 = vector.broadcast %select_n3A : vector<1x128xf32> to vector<8x128xf32>
    %div3A_99 = arith.divf %transpose3A_97, %div3A_98 : vector<8x128xf32>
    %swap3A_100 = arith.constant 64 : index
    %swap3A_101 = arith.constant 0 : index
    %swap3A_102 = vector.load %arg3[%swap3A_100, %swap3A_101] : memref<80x128xf32, #tpu.memory_space<vmem>>, vector<8x128xf32>
    tpu.vector_store %arg3[%swap3A_100, %swap3A_101], %div3A_99 {strides = array<i32>} : memref<80x128xf32, #tpu.memory_space<vmem>>, vector<8x128xf32>,
    %get3A_103 = arith.constant 9 : index
    %get3A_104 = arith.constant 0 : index
    %get3A_105 = arith.constant 0 : index
    %get3A_106 = vector.load %arg1[%get3A_103, %get3A_104, %get3A_105] : memref<10x128x8xf32, #tpu.memory_space<vmem>>, vector<1x128x8xf32>
    %get3A_107 = vector.shape_cast %get3A_106 : vector<1x128x8xf32> to vector<128x8xf32>
    %transpose3A_108 = tpu.transpose %get3A_107, [1, 0] : vector<128x8xf32> -> vector<8x128xf32>
    %div3A_109 = vector.broadcast %select_n3A : vector<1x128xf32> to vector<8x128xf32>
    %div3A_110 = arith.divf %transpose3A_108, %div3A_109 : vector<8x128xf32>
    %swap3A_111 = arith.constant 72 : index
    %swap3A_112 = arith.constant 0 : index
    %swap3A_113 = vector.load %arg3[%swap3A_111, %swap3A_112] : memref<80x128xf32, #tpu.memory_space<vmem>>, vector<8x128xf32>
    tpu.vector_store %arg3[%swap3A_111, %swap3A_112], %div3A_110 {strides = array<i32>} : memref<80x128xf32, #tpu.memory_space<vmem>>, vector<8x128xf32>,
    return
  }
  func.func @transform_0(%arg0: i32) -> (i32, i32, i32) {
    %c0_i32 = arith.constant 0 : i32
    %c0_i32_0 = arith.constant 0 : i32
    %c0_i32_1 = arith.constant 0 : i32
    return %c0_i32, %arg0, %c0_i32_0 : i32, i32, i32
  }
  func.func @transform_1(%arg0: i32) -> (i32, i32) {
    %c0_i32 = arith.constant 0 : i32
    %c0_i32_0 = arith.constant 0 : i32
    return %c0_i32, %arg0 : i32, i32
  }
  func.func @transform_2(%arg0: i32) -> (i32, i32) {
    %c0_i32 = arith.constant 0 : i32
    %c0_i32_0 = arith.constant 0 : i32
    return %c0_i32, %arg0 : i32, i32
  }
}

</mosaic_0001>

<sc_bundles>
// kernel: kernel.5.cloned.1.call-start
scs
__scs_entry_jumppad:
0x0: {  	(pc) =	sbr.rel $0x88, $3  }
0x1: {  	(tag) =	ssettag $0x0;
	lr =	simm.s32 $0x1  }
0x2: {  	[smem:$0x3F9B] =	sst lr;
	_ =	strace $0xD0000000  }
0x3: {  	_ = 	snop  }
0x4: {  	_ = 	snop  }
0x5: {  	_ = 	snop  }
0x6: {  	_ = 	snop  }
0x7: {  	_ = 	snop  }
__scs_overlays_trampoline_lowered:
0x8: {  	[smem:$0x3FAA] =	sst s0  }
0x9: {  	[smem:$0x3FAB] =	sst s1  }
0xa: {  	[smem:$0x3FAC] =	sst s2  }
0xb: {  	[smem:$0x3FAD] =	sst s3  }
0xc: {  	[smem:$0x3FAE] =	sst s4  }
0xd: {  	[smem:$0x3FAF] =	sst s5  }
0xe: {  	[smem:$0x3FB0] =	sst s6  }
0xf: {  	[smem:$0x3FB1] =	sst s7  }
0x10: {  	[smem:$0x3FB2] =	sst s8  }
0x11: {  	[smem:$0x3FB3] =	sst s9;
	s0 =	simm.s32 @!p0 $0x0  }
0x12: {  	s1 =	sld [smem:$0x3F99];
	s0 =	simm.s32 @p0 $0x1  }
0x13: {  	[smem:$0x3FB4] =	sst s0;
	s0 =	simm.s32 @!p1 $0x0  }
0x14: {  	s2 =	sld [smem:$0x3F98];
	s0 =	simm.s32 @p1 $0x1  }
0x15: {  	[smem:$0x3FB5] =	sst s0;
	s0 =	simm.s32 @!p2 $0x0  }
0x16: {  	s3 =	sld [smem:$0x3FDB];
	s0 =	simm.s32 @p2 $0x1  }
0x17: {  	s4 =	simm.s32 $0x1BF5;
	[smem:$0x3FB7] =	sst s0  }
0x18: {  	s0 =	sld [smem:$0x3F9A];
	_ =	swait.ge [sflag:s4], $0x0  }
0x19: {  	s7 =	sld [smem:$0x3F9B]  }
0x1a: {  	s8 =	sadd.s32 $0xFFFFE003, lr  }
0x1b: {  	s9 =	sadd.s32 $0xFFFFFEF7, lr;
	s5 =	simm.s32 $0xFFFFFFFF;
	p2 =	slt.u32 s8, $0xFFFFF086  }
0x1c: {  	p1 =	slt.u32 s9, $0xF7A;
	s5 =	simm.s32 @!p2 $0x0  }
0x1d: {  	s5 =	simm.s32 @p1 $0x1;
	p0 =	seq.s32 s7, s2  }
0x1e: {  	s7 =	smul.u32 @!p0 $0xF7A, s2;
	p2 =	seq.s32 @!p0 s5, $0x0  }
0x1f: {  	s9 =	smul.u32 $0xF7A, s1;
	s8 =	simm.s32 @!p0 $0x1BF5;
	p2 =	por !p2, p0  }
0x20: {  	[sflag:s8] =	ssyncset.s32 @!p0 $0xFFFFF086;
	s6 =	sadd.s32 @!p0 s3, s7;
	s7 =	simm.s32 @!p0 $0x108  }
0x21: {  	s3 =	sadd.s32 s3, s9;
	s6 =	sadd.s32 @!p0 $0x88, s6;
	s7 =	simm.s32 @p2 $0x1082  }
0x22: {  	[simem:s7], [sflag:s8] =	dma.local @!p0 [hbm:s6], $0xF7A  }
0x23: {  	s9 =	sor.u32 $0xD0000000, s2;
	s6 =	simm.s32 $0x108;
	_ =	swait.ge @!p0 [sflag:s8], $0x0  }
0x24: {  	s3 =	sadd.s32 $0x88, s3;
	s6 =	simm.s32 @!p1 $0x1082;
	[sflag:s4] =	ssyncset.s32 $0xFFFFF086  }
0x25: {  	[simem:s6], [sflag:s4] =	dma.local [hbm:s3], $0xF7A  }
0x26: {  	[smem:$0x3F9B] =	sst s1;
	(tag) =	ssettag s2;
	_ =	strace s9  }
0x27: {  	s1 =	sld [smem:$0x3FAB]  }
0x28: {  	s2 =	sld [smem:$0x3FAC]  }
0x29: {  	s4 =	sld [smem:$0x3FAE]  }
0x2a: {  	p0 =	seq.s32 s5, $0x0;
	s5 =	sld [smem:$0x3FAF]  }
0x2b: {  	s6 =	sld [smem:$0x3FB0]  }
0x2c: {  	s7 =	sld [smem:$0x3FB1]  }
0x2d: {  	s3 =	simm.s32 $0x108;
	s8 =	sld [smem:$0x3FB2]  }
0x2e: {  	s3 =	simm.s32 @!p0 $0x1082;
	s9 =	sld [smem:$0x3FB3]  }
0x2f: {  	lr =	sadd.s32 s0, s3;
	s0 =	sld [smem:$0x3FAA]  }
0x30: {  	s3 =	sld [smem:$0x3FAD]  }
0x31: {  	[smem:$0x3FB6] =	sst s10  }
0x32: {  	s10 =	sld [smem:$0x3FB4];
	_ =	sdelay $0x3  }
0x33: {  	p0 =	seq.s32 s10, $0x1;
	s10 =	sld [smem:$0x3FB6];
	_ =	sdelay $0x3  }
0x34: {  	[smem:$0x3FB6] =	sst s10  }
0x35: {  	s10 =	sld [smem:$0x3FB5];
	_ =	sdelay $0x3  }
0x36: {  	p1 =	seq.s32 s10, $0x1;
	s10 =	sld [smem:$0x3FB6];
	_ =	sdelay $0x3  }
0x37: {  	[smem:$0x3FB6] =	sst s10  }
0x38: {  	s10 =	sld [smem:$0x3FB7]  }
0x39: {  	_ = 	snop;
	(pc) =	sbr.ind lr, $3  }
0x3a: {  	_ = 	snop  }
0x3b: {  	_ = 	snop  }
0x3c: {  	p2 =	seq.s32 s10, $0x1;
	s10 =	sld [smem:$0x3FB6]  }
0x3d: {  	_ =	shalt  }
0x3e: {  	_ =	shalt  }
0x3f: {  	_ =	shalt  }
0x40: {  	_ =	shalt  }
0x41: {  	_ =	shalt  }
0x42: {  	_ =	shalt  }
0x43: {  	_ =	shalt  }
0x44: {  	_ =	shalt  }
0x45: {  	_ =	shalt  }
0x46: {  	_ =	shalt  }
0x47: {  	_ =	shalt  }
0x48: {  	_ =	shalt  }
0x49: {  	_ =	shalt  }
0x4a: {  	_ =	shalt  }
0x4b: {  	_ =	shalt  }
0x4c: {  	_ =	shalt  }
0x4d: {  	_ =	shalt  }
0x4e: {  	_ =	shalt  }
0x4f: {  	_ =	shalt  }
0x50: {  	_ =	shalt  }
0x51: {  	_ =	shalt  }
0x52: {  	_ =	shalt  }
0x53: {  	_ =	shalt  }
0x54: {  	_ =	shalt  }
0x55: {  	_ =	shalt  }
0x56: {  	_ =	shalt  }
0x57: {  	_ =	shalt  }
0x58: {  	_ =	shalt  }
0x59: {  	_ =	shalt  }
0x5a: {  	_ =	shalt  }
0x5b: {  	_ =	shalt  }
0x5c: {  	_ =	shalt  }
0x5d: {  	_ =	shalt  }
0x5e: {  	_ =	shalt  }
0x5f: {  	_ =	shalt  }
0x60: {  	_ =	shalt  }
0x61: {  	_ =	shalt  }
0x62: {  	_ =	shalt  }
0x63: {  	_ =	shalt  }
0x64: {  	_ =	shalt  }
0x65: {  	_ =	shalt  }
0x66: {  	_ =	shalt  }
0x67: {  	_ =	shalt  }
0x68: {  	_ =	shalt  }
0x69: {  	_ =	shalt  }
0x6a: {  	_ =	shalt  }
0x6b: {  	_ =	shalt  }
0x6c: {  	_ =	shalt  }
0x6d: {  	_ =	shalt  }
0x6e: {  	_ =	shalt  }
0x6f: {  	_ =	shalt  }
0x70: {  	_ =	shalt  }
0x71: {  	_ =	shalt  }
0x72: {  	_ =	shalt  }
0x73: {  	_ =	shalt  }
0x74: {  	_ =	shalt  }
0x75: {  	_ =	shalt  }
0x76: {  	_ =	shalt  }
0x77: {  	_ =	shalt  }
0x78: {  	_ =	shalt  }
0x79: {  	_ =	shalt  }
0x7a: {  	_ =	shalt  }
0x7b: {  	_ =	shalt  }
0x7c: {  	_ =	shalt  }
0x7d: {  	_ =	shalt  }
0x7e: {  	_ =	shalt  }
0x7f: {  	_ =	shalt  }
0x80: {  	_ =	shalt  }
0x81: {  	_ =	shalt  }
0x82: {  	_ =	shalt  }
0x83: {  	_ =	shalt  }
0x84: {  	_ =	shalt  }
0x85: {  	_ =	shalt  }
0x86: {  	_ =	shalt  }
0x87: {  	_ =	shalt  }
.Lfunc_end0:
.L_simem_size_0:
called_computation.1_lowered:
.L_overlay_start_0:
0x88: {  	s2 =	sld [smem:$0x3FD9]  }
0x89: {  	s3 =	sld [smem:$0x3FFE];
	_ =	sdelay $0x1  }
0x8a: {  	s1 =	srdreg.scid  }
0x8b: {  	s0 =	sand.u32 $0x1, s1  }
0x8c: {  	s17 =	sshll.u32 s0, $0xA;
	s2 =	sadd.s32 s3, s2  }
0x8d: {  	s2 =	sadd.s32 s2, s17  }
0x8e: {  	[smem:$0x3FC2] =	sst s2  }
0x8f: {  	_ = 	snop  }
0x90: {  	s2 =	sld [smem:$0x3FD0];
	(tm) =	ssettm $0x1  }
0x91: {  	s18 =	sld [smem:$0x3FFB];
	_ =	sdelay $0x3  }
0x92: {  	_ =	strace s18  }
0x93: {  	s3 =	sld [smem:$0x3FFC];
	_ =	sdelay $0x3  }
0x94: {  	_ =	strace s3  }
0x95: {  	s3 =	sld [smem:$0x3FFD];
	_ =	sdelay $0x3  }
0x96: {  	_ =	strace s3  }
0x97: {  	_ =	strace $0x8FFFFFFF  }
0x98: {  	s19 =	sld [smem:$0x3FDB];
	_ =	sdelay $0x1  }
0x99: {  	s4 =	simm.s32 $_scs_section_size  }
0x9a: {  	s5 =	simm.s32 $_size__tile_overlayer_lowered;
	s6 =	simm.s32 $_tile_overlayer_lowered  }
0x9b: {  	s22 =	simm.s32 $0x1BFF;
	s21 =	sshll.u32 s6, $0x1;
	s3 =	sadd.s32 s4, s19  }
0x9c: {  	s7 =	simm.s32 $0x0;
	s20 =	sshll.u32 s5, $0x1;
	s5 =	sadd.s32 s21, s3  }
0x9d: {  	[timem:s7], [sflag:s22] =	dma.local [hbm:s5], s20  }
0x9e: {  	_ =	swait.ge [sflag:s22], s20  }
0x9f: {  	s4 =	ssub.s32 $0x0, s20;
	[sflag:s22] =	ssyncset.done $0x0  }
0xa0: {  	[sflag:s22] =	ssyncadd.s32 s4;
	_ =	sdelay $0x1  }
0xa1: {  	s23 =	simm.s32 $0x1B8B  }
0xa2: {  	_ =	swait.ge [sflag:s23], $0x1  }
0xa3: {  	[sflag:s23] =	ssyncset.done $0x0  }
0xa4: {  	s25 =	simm.s32 $0x1B8E;
	s24 =	sld [smem:$0x3FFE];
	[sflag:s23] =	ssyncadd.s32 $0xFFFFFFFF  }
0xa5: {  	s26 =	simm.s32 $execute0_lowered;
	[smem:$0x3FD2] =	sst s25  }
0xa6: {  	s5 =	sshll.u32 s26, $0x1;
	_ =	strace $0x80000049;
	[dreg:$0x1] =	wrdreg $0xFFFFFFFF  }
0xa7: {  	s28 =	simm.s32 $_size_execute0_lowered;
	s3 =	sadd.s32 s3, s5;
	[dreg:$0x0] =	wrdreg $0x0  }
0xa8: {  	s5 =	sshll.u32 s28, $0x1;
	[dreg:$0x2] =	wrdreg s3  }
0xa9: {  	[dreg:$0x3] =	wrdreg s5  }
0xaa: {  	[dreg:$0x4] =	wrdreg $0xC0  }
0xab: {  	_ =	task [dreg:s7], $0x5FFFF  }
0xac: {  	[dreg:$0x1] =	wrdreg $0xFFFFFFFF  }
0xad: {  	[dreg:$0x0] =	wrdreg $0x60  }
0xae: {  	[dreg:$0x2] =	wrdreg s24  }
0xaf: {  	[dreg:$0x3] =	wrdreg s2  }
0xb0: {  	[dreg:$0x4] =	wrdreg $0x100000  }
0xb1: {  	[dreg:$0x5] =	wrdreg $0x0  }
0xb2: {  	[dreg:$0x6] =	wrdreg $0x9  }
0xb3: {  	_ =	task.clear_ibuf [dreg:s7], $0x7FFFF;
	_ =	strace $0x90000049  }
0xb4: {  	s29 =	simm.s32 $0x9;
	_ =	strace $0x8000004B  }
0xb5: {  	_ =	swait.ge [sflag:s29], $0x1  }
0xb6: {  	[sflag:s29] =	ssyncadd.s32 $0xFFFFFFFF  }
0xb7: {  	_ =	strace $0x9000004B  }
0xb8: {  	_ =	sfence  }
0xb9: {  	s30 =	sld [smem:$0x0];
	_ =	sdelay $0x2  }
0xba: {  	s31 =	sshll.u32 s1, $0xD;
	s1 =	sshrl.u32 s1, $0x2  }
0xbb: {  	s3 =	sand.u32 $0x4000, s31;
	s1 =	sadd.s32 s1, s30  }
0xbc: {  	s0 =	sor.u32 s3, s0;
	s1 =	sshll.u32 s1, $0x11  }
0xbd: {  	s0 =	sor.u32 s1, s0  }
0xbe: {  	s0 =	sadd.s32 $0x8F2B, s0  }
0xbf: {  	[sflag:s0] =	ssyncadd.remote.s32 $0x1  }
0xc0: {  	_ =	sfence.sel $0xFFFF  }
0xc1: {  	[dreg:$0x0] =	wrdreg $0xFFFFFFFF;
	(pc) =	sbr.abs _section_cstart, $3  }
0xc2: {  	[dreg:$0x1] =	wrdreg $0xFFFFFFFF  }
0xc3: {  	_ =	task.clear_ibuf [dreg:s7], $0x2FFFF;
	_ =	strace $0x9FFFFFFF  }
0xc4: {  	(tm) =	ssettm $0x7FFFFFFF  }
0xc5: {  	_ =	shalt  }
tec
execute0_lowered:
.L_overlay_start_1:
0x0: {  	(tag) =	ssettag $0x1  }
0x1: {  	s0 =	rddreg [dreg:$0x0]  }
0x2: {  	s1 =	rddreg [dreg:$0x1]  }
0x3: {  	s3 =	rddreg [dreg:$0x2];
	s12 =	stileid.u32  }
0x4: {  	s2 =	srdreg.scid;
	s4 =	rddreg [dreg:$0x3]  }
0x5: {  	s5 =	simm.s32 $0x0;
	s6 =	smul.u32 $0xF78, s12;
	s2 =	sand.u32 $0x1, s2  }
0x6: {  	[smem:$0x7FF] =	sst s5;
	s8 =	sadd.s32 $0x2600, s0;
	s23 =	sshll.u32 s12, $0xD  }
0x7: {  	s10 =	sadd.s32 $0x2000, s0;
	s11 =	sadd.s32 $0x2400, s0;
	s14 =	smul.u32 $0x7BC0, s12  }
0x8: {  	s17 =	sshll.u32 s12, $0x10;
	_ =	strace $0x8000004A;
	[dreg:$0x5] =	wrdreg s8  }
0x9: {  	s7 =	smul.u32 $0x26AC00, s2;
	s9 =	sshll.u32 s2, $0x11;
	[dreg:$0x6] =	wrdreg s10  }
0xa: {  	s24 =	ssub.s32 $0x2, s2;
	[dreg:$0x7] =	wrdreg s11;
	s8 =	sadd.s32 s23, s3  }
0xb: {  	s16 =	smul.u32 $0x5, s2;
	s12 =	sadd.s32 s17, s4;
	s18 =	sor.u32 $0x2000, s17  }
0xc: {  	s13 =	sor.u32 $0x4000, s17;
	s19 =	sor.u32 $0x6000, s17;
	[dreg:$0x13] =	wrdreg s17  }
0xd: {  	s20 =	sor.u32 $0x8000, s17;
	p0 =	seq.s32 s2, $0x1;
	[dreg:$0x8] =	wrdreg s8  }
0xe: {  	p1 =	seq.s32 s2, $0x0;
	s21 =	sor.u32 $0xA000, s17;
	[dreg:$0xa] =	wrdreg s18  }
0xf: {  	s2 =	simm.s32 $0x17280;
	s10 =	simm.s32 $0x0;
	[dreg:$0xb] =	wrdreg s13  }
0x10: {  	s6 =	sadd.s32 s6, s0;
	s9 =	sor.u32 s23, s9;
	[dreg:$0xc] =	wrdreg s19  }
0x11: {  	s25 =	sshrl.u32 s24, $0x1;
	s15 =	sadd.s32 s18, s4;
	[dreg:$0xd] =	wrdreg s20  }
0x12: {  	s18 =	sadd.s32 s19, s4;
	s20 =	sadd.s32 s20, s4;
	[dreg:$0xe] =	wrdreg s21  }
0x13: {  	s28 =	sadd.s32 s21, s4;
	s8 =	simm.s32 $0x12000;
	s7 =	sadd.s32 s7, s0  }
0x14: {  	s9 =	sshrl.u32 s9, $0x3;
	s26 =	ssub.s32 s24, s25;
	[dreg:$0x9] =	wrdreg s16  }
0x15: {  	s16 =	sadd.s32 s13, s4;
	s25 =	sadd.s32 $0x2A00, s6;
	s24 =	sor.u32 $0xC000, s17  }
0x16: {  	s6 =	simm.s32 $0x840;
	s0 =	sadd.s32 s9, s0;
	s7 =	sadd.s32 s14, s7  }
0x17: {  	s22 =	smax.u32 s26, $0x1;
	[dreg:$0x12] =	wrdreg s24;
	s29 =	sadd.s32 s24, s4  }
0x18: {  	s26 =	sor.u32 $0xE000, s17;
	s24 =	simm.s32 $0x12840;
	s0 =	sadd.s32 $0x4E7A00, s0  }
0x19: {  	[dreg:$0x10] =	wrdreg s22;
	s23 =	sadd.s32 $0x12200, s7;
	s30 =	smov.u32 s26  }
0x1a: {  	s31 =	sadd.s32 s26, s4;
	s7 =	simm.s32 $0x2;
	[dreg:$0xf] =	wrdreg s0  }
0x1b: {  	[dreg:$0x11] =	wrdreg s23;
	s23 =	simm.s32 $0x3;
	s0 =	simm.s32 $0x1B280  }
.LBB2_1:
0x1c: {  	[dreg:$0x14] =	wrdreg s10  }
0x1d: {  	s9 =	rddreg [dreg:$0x5];
	s19 =	simm.s32 $0x1  }
0x1e: {  	[tilespmem:s2], [sflag:$0x1] =	stream.linear.gather [hbm4b:s9+s5], $0x2000, $0x38;
	[tilespmem:$0x1D280] =	vst v63  }
0x1f: {  	_ =	swait.ge [sflag:s19], $0x2000  }
0x20: {  	[sflag:s19] =	ssyncset.done $0x0  }
0x21: {  	s11 =	simm.s32 $0x19280;
	s21 =	rddreg [dreg:$0x6];
	[sflag:s19] =	ssyncadd.s32 $0xFFFFE000  }
0x22: {  	[tilespmem:s11], [sflag:$0x1] =	stream.linear.gather [hbm4b:s21+s5], $0x2000, $0x38;
	[tilespmem:$0x1D280] =	vst v63  }
0x23: {  	_ =	swait.ge [sflag:s19], $0x2000  }
0x24: {  	[sflag:s19] =	ssyncset.done $0x0  }
0x25: {  	s13 =	simm.s32 $0x16A40;
	s22 =	rddreg [dreg:$0x7];
	[sflag:s19] =	ssyncadd.s32 $0xFFFFE000  }
0x26: {  	[tilespmem:s13], [sflag:$0x1] =	stream.linear.gather [hbm4b:s22+s5], $0x840, $0x38;
	[tilespmem:$0x1D280] =	vst v63  }
0x27: {  	_ =	swait.ge [sflag:s19], $0x840  }
0x28: {  	[sflag:s19] =	ssyncset.done $0x0  }
0x29: {  	s26 =	rddreg [dreg:$0x8];
	[sflag:s19] =	ssyncadd.s32 $0xFFFFF7C0  }
0x2a: {  	[spmem:s26] =	stream.linear.scatter [tilespmem:s11], [sflag:$0x1], $0x2000, $0x38;
	[tilespmem:$0x1D280] =	vst v63  }
0x2b: {  	_ =	swait.ge [sflag:s19], $0x2000  }
0x2c: {  	[sflag:s19] =	ssyncset.done $0x0  }
0x2d: {  	s13 =	simm.s32 $0x0;
	s9 =	rddreg [dreg:$0x11];
	[sflag:s19] =	ssyncadd.s32 $0xFFFFE000  }
.LBB2_2:
0x2e: {  	[spmem:s12] =	stream.linear.scatter [tilespmem:s2], [sflag:$0x2], $0x2000, $0x38;
	[tilespmem:$0x1D280] =	vst v63  }
0x2f: {  	_ =	swait.ge [sflag:s7], $0x2000  }
0x30: {  	[sflag:s7] =	ssyncset.done $0x0  }
0x31: {  	[sflag:s7] =	ssyncadd.s32 $0xFFFFE000  }
0x32: {  	[spmem:s15] =	stream.linear.scatter [tilespmem:s2], [sflag:$0x2], $0x2000, $0x38;
	[tilespmem:$0x1D280] =	vst v63  }
0x33: {  	_ =	swait.ge [sflag:s7], $0x2000  }
0x34: {  	[sflag:s7] =	ssyncset.done $0x0  }
0x35: {  	[sflag:s7] =	ssyncadd.s32 $0xFFFFE000  }
0x36: {  	[spmem:s16] =	stream.linear.scatter [tilespmem:s2], [sflag:$0x2], $0x2000, $0x38;
	[tilespmem:$0x1D280] =	vst v63  }
0x37: {  	_ =	swait.ge [sflag:s7], $0x2000  }
0x38: {  	[sflag:s7] =	ssyncset.done $0x0  }
0x39: {  	[sflag:s7] =	ssyncadd.s32 $0xFFFFE000  }
0x3a: {  	[spmem:s18] =	stream.linear.scatter [tilespmem:s2], [sflag:$0x2], $0x2000, $0x38;
	[tilespmem:$0x1D280] =	vst v63  }
0x3b: {  	_ =	swait.ge [sflag:s7], $0x2000  }
0x3c: {  	[sflag:s7] =	ssyncset.done $0x0  }
0x3d: {  	[sflag:s7] =	ssyncadd.s32 $0xFFFFE000  }
0x3e: {  	[spmem:s20] =	stream.linear.scatter [tilespmem:s2], [sflag:$0x2], $0x2000, $0x38;
	[tilespmem:$0x1D280] =	vst v63  }
0x3f: {  	_ =	swait.ge [sflag:s7], $0x2000  }
0x40: {  	[sflag:s7] =	ssyncset.done $0x0  }
0x41: {  	[sflag:s7] =	ssyncadd.s32 $0xFFFFE000  }
0x42: {  	[spmem:s28] =	stream.linear.scatter [tilespmem:s2], [sflag:$0x2], $0x2000, $0x38;
	[tilespmem:$0x1D280] =	vst v63  }
0x43: {  	_ =	swait.ge [sflag:s7], $0x2000  }
0x44: {  	[sflag:s7] =	ssyncset.done $0x0  }
0x45: {  	[sflag:s7] =	ssyncadd.s32 $0xFFFFE000  }
0x46: {  	[spmem:s29] =	stream.linear.scatter [tilespmem:s2], [sflag:$0x2], $0x2000, $0x38;
	[tilespmem:$0x1D280] =	vst v63  }
0x47: {  	_ =	swait.ge [sflag:s7], $0x2000  }
0x48: {  	[sflag:s7] =	ssyncset.done $0x0  }
0x49: {  	[sflag:s7] =	ssyncadd.s32 $0xFFFFE000  }
0x4a: {  	[spmem:s31] =	stream.linear.scatter [tilespmem:s2], [sflag:$0x2], $0x2000, $0x38;
	[tilespmem:$0x1D280] =	vst v63  }
0x4b: {  	_ =	swait.ge [sflag:s7], $0x2000  }
0x4c: {  	[sflag:s7] =	ssyncset.done $0x0  }
0x4d: {  	[sflag:s7] =	ssyncadd.s32 $0xFFFFE000  }
0x4e: {  	[bflag:$0x0] =	sbarrier.arrive $0xFFFF  }
0x4f: {  	[tilespmem:s8], [sflag:$0x3] =	stream.linear.gather [hbm4b:s25+s5], $0x840, $0x38;
	[tilespmem:$0x1D280] =	vst v63  }
0x50: {  	_ =	swait.ge [sflag:s23], $0x840  }
0x51: {  	p2 =	por $0x1, $0x1;
	p3 =	por $0x0, $0x0;
	[sflag:s23] =	ssyncset.done $0x0  }
0x52: {  	p2 =	por !p1, !p2;
	p3 =	por !p3, !p0;
	[sflag:s23] =	ssyncadd.s32 $0xFFFFF7C0  }
0x53: {  	[tilespmem:s24], [sflag:$0x3] =	stream.linear.gather [hbm4b:s9+s5], $0x4200, $0x38;
	[tilespmem:$0x1D280] =	vst v63  }
0x54: {  	p4 =	por !p2, !p2;
	p3 =	por !p3, !p3;
	_ =	swait.ge [sflag:s23], $0x4200  }
0x55: {  	p2 =	sne.s32 s13, $0x0;
	p3 =	por p4, p3;
	[sflag:s23] =	ssyncset.done $0x0  }
0x56: {  	p4 =	por !p3, p2;
	[sflag:s23] =	ssyncadd.s32 $0xFFFFBE00  }
0x57: {  	[spmem:s4] =	stream.indirect.scatter.add.f32 [tilespmem:s24], [sflag:$0x3], $0x8, s8, s6, $0xb8;
	[tilespmem:$0x1D280] =	vst v63  }
0x58: {  	s17 =	sadd.s32 $0x108, s25;
	s10 =	simm.s32 @!p4 $0x840;
	_ =	swait.ge [sflag:s23], $0x4200  }
0x59: {  	s11 =	simm.s32 @!p4 $0x12000;
	s14 =	simm.s32 @!p4 $0x16A40;
	[sflag:s23] =	ssyncset.done $0x0  }
0x5a: {  	s19 =	simm.s32 @!p4 $0x2;
	s26 =	rddreg [dreg:$0x9];
	[sflag:s23] =	ssyncadd.s32 $0xFFFFBE00  }
0x5b: {  	[spmem:s3] =	stream.indirect.scatter.add.f32 @!p4 [tilespmem:s14], [sflag:$0x2], $0x1, s11, s10, $0xb8;
	[tilespmem:$0x1D280] =	vst v63  }
0x5c: {  	s11 =	sadd.s32 s26, s13;
	s14 =	simm.s32 $0x1;
	s10 =	smov.u32 s9  }
.LBB2_3:
0x5d: {  	_ =	swait.ge @!p4 [sflag:s19], $0x840  }
0x5e: {  	s10 =	sadd.s32 $0x840, s10;
	s21 =	smov.u32 s14;
	s14 =	sadd.s32 $0x1, s14  }
0x5f: {  	p3 =	sne.s32 s14, $0xF;
	[sflag:s19] =	ssyncset.done @!p4 $0x0  }
0x60: {  	[sflag:s19] =	ssyncadd.s32 @!p4 $0xFFFFF7C0  }
0x61: {  	[tilespmem:s8], [sflag:$0x3] =	stream.linear.gather [hbm4b:s17+s5], $0x840, $0x38;
	[tilespmem:$0x1D280] =	vst v63  }
0x62: {  	_ =	swait.ge [sflag:s23], $0x840  }
0x63: {  	[sflag:s23] =	ssyncset.done $0x0  }
0x64: {  	[sflag:s23] =	ssyncadd.s32 $0xFFFFF7C0  }
0x65: {  	[tilespmem:s24], [sflag:$0x3] =	stream.linear.gather [hbm4b:s10+s5], $0x4200, $0x38;
	[tilespmem:$0x1D280] =	vst v63  }
0x66: {  	p5 =	sgt.u32 s21, $0x7;
	p4 =	slt.u32 s21, $0x8;
	_ =	swait.ge [sflag:s23], $0x4200  }
0x67: {  	p5 =	por !p5, !p0;
	p4 =	por !p1, !p4;
	[sflag:s23] =	ssyncset.done $0x0  }
0x68: {  	p5 =	por !p5, !p5;
	p4 =	por !p4, !p4;
	[sflag:s23] =	ssyncadd.s32 $0xFFFFBE00  }
0x69: {  	[spmem:s4] =	stream.indirect.scatter.add.f32 [tilespmem:s24], [sflag:$0x3], $0x8, s8, s6, $0xb8;
	[tilespmem:$0x1D280] =	vst v63  }
.Ltmp0:
0x6a: {  	p4 =	por p4, p5;
	_ =	swait.ge [sflag:s23], $0x4200;
	(pc) =	sbr.rel @p3 .LBB2_3-.Ltmp0, $4  }
0x6b: {  	p4 =	por !p4, p2;
	[sflag:s23] =	ssyncset.done $0x0  }
0x6c: {  	s21 =	simm.s32 @!p4 $0x840;
	s22 =	simm.s32 @!p4 $0x12000;
	[sflag:s23] =	ssyncadd.s32 $0xFFFFBE00  }
0x6d: {  	s17 =	sadd.s32 $0x108, s17;
	s26 =	simm.s32 @!p4 $0x16A40;
	s19 =	simm.s32 @!p4 $0x2  }
0x6e: {  	[spmem:s3] =	stream.indirect.scatter.add.f32 @!p4 [tilespmem:s26], [sflag:$0x2], $0x1, s22, s21, $0xb8;
	[tilespmem:$0x1D280] =	vst v63  }
0x6f: {  	_ =	swait.ge @!p4 [sflag:s19], $0x840  }
0x70: {  	[sflag:s19] =	ssyncset.done @!p4 $0x0  }
0x71: {  	[sflag:s19] =	ssyncadd.s32 @!p4 $0xFFFFF7C0  }
0x72: {  	[bflag:$0x0] =	sbarrier.arrive $0xFFFF  }
0x73: {  	[tilespmem:s0], [sflag:$0x2] =	stream.linear.gather [spmem:s12], $0x2000, $0x38;
	[tilespmem:$0x1D280] =	vst v63  }
0x74: {  	_ =	swait.ge [sflag:s7], $0x2000  }
0x75: {  	s11 =	sshll.u32 s11, $0x14;
	s10 =	rddreg [dreg:$0x13]  }
0x76: {  	s10 =	sor.u32 s10, s11  }
0x77: {  	[sflag:s7] =	ssyncset.done $0x0;
	s10 =	sshrl.u32 s10, $0x3  }
0x78: {  	[sflag:s7] =	ssyncadd.s32 $0xFFFFE000;
	s10 =	sadd.s32 s1, s10  }
0x79: {  	[hbm4b:s10+s5] =	stream.linear.scatter [tilespmem:s0], [sflag:$0x2], $0x2000, $0x38;
	[tilespmem:$0x1D280] =	vst v63  }
0x7a: {  	_ =	swait.ge [sflag:s7], $0x2000  }
0x7b: {  	[sflag:s7] =	ssyncset.done $0x0  }
0x7c: {  	[sflag:s7] =	ssyncadd.s32 $0xFFFFE000  }
0x7d: {  	[tilespmem:s0], [sflag:$0x2] =	stream.linear.gather [spmem:s15], $0x2000, $0x38;
	[tilespmem:$0x1D280] =	vst v63  }
0x7e: {  	_ =	swait.ge [sflag:s7], $0x2000  }
0x7f: {  	s26 =	rddreg [dreg:$0xa]  }
0x80: {  	s10 =	sor.u32 s26, s11  }
0x81: {  	[sflag:s7] =	ssyncset.done $0x0;
	s10 =	sshrl.u32 s10, $0x3  }
0x82: {  	[sflag:s7] =	ssyncadd.s32 $0xFFFFE000;
	s10 =	sadd.s32 s1, s10  }
0x83: {  	[hbm4b:s10+s5] =	stream.linear.scatter [tilespmem:s0], [sflag:$0x2], $0x2000, $0x38;
	[tilespmem:$0x1D280] =	vst v63  }
0x84: {  	_ =	swait.ge [sflag:s7], $0x2000  }
0x85: {  	[sflag:s7] =	ssyncset.done $0x0  }
0x86: {  	[sflag:s7] =	ssyncadd.s32 $0xFFFFE000  }
0x87: {  	[tilespmem:s0], [sflag:$0x2] =	stream.linear.gather [spmem:s16], $0x2000, $0x38;
	[tilespmem:$0x1D280] =	vst v63  }
0x88: {  	_ =	swait.ge [sflag:s7], $0x2000  }
0x89: {  	s14 =	rddreg [dreg:$0xb]  }
0x8a: {  	s10 =	sor.u32 s14, s11  }
0x8b: {  	[sflag:s7] =	ssyncset.done $0x0;
	s10 =	sshrl.u32 s10, $0x3  }
0x8c: {  	[sflag:s7] =	ssyncadd.s32 $0xFFFFE000;
	s10 =	sadd.s32 s1, s10  }
0x8d: {  	[hbm4b:s10+s5] =	stream.linear.scatter [tilespmem:s0], [sflag:$0x2], $0x2000, $0x38;
	[tilespmem:$0x1D280] =	vst v63  }
0x8e: {  	_ =	swait.ge [sflag:s7], $0x2000  }
0x8f: {  	[sflag:s7] =	ssyncset.done $0x0  }
0x90: {  	[sflag:s7] =	ssyncadd.s32 $0xFFFFE000  }
0x91: {  	[tilespmem:s0], [sflag:$0x2] =	stream.linear.gather [spmem:s18], $0x2000, $0x38;
	[tilespmem:$0x1D280] =	vst v63  }
0x92: {  	_ =	swait.ge [sflag:s7], $0x2000  }
0x93: {  	s17 =	rddreg [dreg:$0xc]  }
0x94: {  	s10 =	sor.u32 s17, s11  }
0x95: {  	[sflag:s7] =	ssyncset.done $0x0;
	s10 =	sshrl.u32 s10, $0x3  }
0x96: {  	[sflag:s7] =	ssyncadd.s32 $0xFFFFE000;
	s10 =	sadd.s32 s1, s10  }
0x97: {  	[hbm4b:s10+s5] =	stream.linear.scatter [tilespmem:s0], [sflag:$0x2], $0x2000, $0x38;
	[tilespmem:$0x1D280] =	vst v63  }
0x98: {  	_ =	swait.ge [sflag:s7], $0x2000  }
0x99: {  	[sflag:s7] =	ssyncset.done $0x0  }
0x9a: {  	[sflag:s7] =	ssyncadd.s32 $0xFFFFE000  }
0x9b: {  	[tilespmem:s0], [sflag:$0x2] =	stream.linear.gather [spmem:s20], $0x2000, $0x38;
	[tilespmem:$0x1D280] =	vst v63  }
0x9c: {  	_ =	swait.ge [sflag:s7], $0x2000  }
0x9d: {  	s19 =	rddreg [dreg:$0xd]  }
0x9e: {  	s10 =	sor.u32 s19, s11  }
0x9f: {  	[sflag:s7] =	ssyncset.done $0x0;
	s10 =	sshrl.u32 s10, $0x3  }
0xa0: {  	[sflag:s7] =	ssyncadd.s32 $0xFFFFE000;
	s10 =	sadd.s32 s1, s10  }
0xa1: {  	[hbm4b:s10+s5] =	stream.linear.scatter [tilespmem:s0], [sflag:$0x2], $0x2000, $0x38;
	[tilespmem:$0x1D280] =	vst v63  }
0xa2: {  	_ =	swait.ge [sflag:s7], $0x2000  }
0xa3: {  	[sflag:s7] =	ssyncset.done $0x0  }
0xa4: {  	[sflag:s7] =	ssyncadd.s32 $0xFFFFE000  }
0xa5: {  	[tilespmem:s0], [sflag:$0x2] =	stream.linear.gather [spmem:s28], $0x2000, $0x38;
	[tilespmem:$0x1D280] =	vst v63  }
0xa6: {  	_ =	swait.ge [sflag:s7], $0x2000  }
0xa7: {  	s21 =	rddreg [dreg:$0xe]  }
0xa8: {  	s10 =	sor.u32 s21, s11  }
0xa9: {  	[sflag:s7] =	ssyncset.done $0x0;
	s10 =	sshrl.u32 s10, $0x3  }
0xaa: {  	[sflag:s7] =	ssyncadd.s32 $0xFFFFE000;
	s10 =	sadd.s32 s1, s10  }
0xab: {  	[hbm4b:s10+s5] =	stream.linear.scatter [tilespmem:s0], [sflag:$0x2], $0x2000, $0x38;
	[tilespmem:$0x1D280] =	vst v63  }
0xac: {  	_ =	swait.ge [sflag:s7], $0x2000  }
0xad: {  	[sflag:s7] =	ssyncset.done $0x0  }
0xae: {  	[sflag:s7] =	ssyncadd.s32 $0xFFFFE000  }
0xaf: {  	[tilespmem:s0], [sflag:$0x2] =	stream.linear.gather [spmem:s29], $0x2000, $0x38;
	[tilespmem:$0x1D280] =	vst v63  }
0xb0: {  	_ =	swait.ge [sflag:s7], $0x2000  }
0xb1: {  	s22 =	rddreg [dreg:$0x12]  }
0xb2: {  	s10 =	sor.u32 s22, s11  }
0xb3: {  	[sflag:s7] =	ssyncset.done $0x0;
	s10 =	sshrl.u32 s10, $0x3  }
0xb4: {  	[sflag:s7] =	ssyncadd.s32 $0xFFFFE000;
	s10 =	sadd.s32 s1, s10  }
0xb5: {  	[hbm4b:s10+s5] =	stream.linear.scatter [tilespmem:s0], [sflag:$0x2], $0x2000, $0x38;
	[tilespmem:$0x1D280] =	vst v63  }
0xb6: {  	_ =	swait.ge [sflag:s7], $0x2000  }
0xb7: {  	[sflag:s7] =	ssyncset.done $0x0  }
0xb8: {  	[sflag:s7] =	ssyncadd.s32 $0xFFFFE000  }
0xb9: {  	[tilespmem:s0], [sflag:$0x2] =	stream.linear.gather [spmem:s31], $0x2000, $0x38;
	[tilespmem:$0x1D280] =	vst v63  }
0xba: {  	s26 =	sor.u32 s30, s11;
	_ =	swait.ge [sflag:s7], $0x2000  }
0xbb: {  	s10 =	sshrl.u32 s26, $0x3;
	[sflag:s7] =	ssyncset.done $0x0  }
0xbc: {  	s10 =	sadd.s32 s1, s10;
	[sflag:s7] =	ssyncadd.s32 $0xFFFFE000  }
0xbd: {  	[hbm4b:s10+s5] =	stream.linear.scatter [tilespmem:s0], [sflag:$0x2], $0x2000, $0x38;
	[tilespmem:$0x1D280] =	vst v63  }
0xbe: {  	_ =	swait.ge [sflag:s7], $0x2000  }
0xbf: {  	[sflag:s7] =	ssyncset.done $0x0  }
0xc0: {  	s10 =	simm.s32 @!p2 $0x19280;
	s11 =	rddreg [dreg:$0x8];
	[sflag:s7] =	ssyncadd.s32 $0xFFFFE000  }
0xc1: {  	[tilespmem:s10], [sflag:$0x2] =	stream.linear.gather @!p2 [spmem:s11], $0x2000, $0x38;
	[tilespmem:$0x1D280] =	vst v63  }
0xc2: {  	s11 =	simm.s32 @!p2 $0x2  }
0xc3: {  	s13 =	sadd.s32 $0x1, s13;
	_ =	swait.ge @!p2 [sflag:s11], $0x2000  }
0xc4: {  	p3 =	sne.s32 s13, $0x5;
	[sflag:s11] =	ssyncset.done @!p2 $0x0  }
0xc5: {  	s14 =	rddreg [dreg:$0xf];
	[sflag:s11] =	ssyncadd.s32 @!p2 $0xFFFFE000;
	s11 =	simm.s32 @!p2 $0x0  }
0xc6: {  	[hbm4b:s14+s11] =	stream.linear.scatter @!p2 [tilespmem:s10], [sflag:$0x1], $0x2000, $0x38;
	[tilespmem:$0x1D280] =	vst v63  }
.Ltmp1:
0xc7: {  	_ = 	snop;
	(pc) =	sbr.rel @p3 .LBB2_2-.Ltmp1, $4  }
0xc8: {  	s10 =	simm.s32 @!p2 $0x1  }
0xc9: {  	_ =	swait.ge @!p2 [sflag:s10], $0x2000  }
0xca: {  	[sflag:s10] =	ssyncset.done @!p2 $0x0  }
0xcb: {  	s9 =	sadd.s32 $0x7BC00, s9;
	[sflag:s10] =	ssyncadd.s32 @!p2 $0xFFFFE000  }
0xcc: {  	s10 =	rddreg [dreg:$0x14]  }
0xcd: {  	s9 =	rddreg [dreg:$0x10];
	s10 =	sadd.s32 $0x1, s10  }
0xce: {  	p2 =	sne.s32 s10, s9  }
.Ltmp2:
0xcf: {  	_ = 	snop;
	(pc) =	sbr.rel @p2 .LBB2_1-.Ltmp2, $1  }
0xd0: {  	_ =	sdelay $0x3  }
0xd1: {  	_ =	sfence.sel $0x180000  }
0xd2: {  	[bflag:$0x0] =	sbarrier.arrive $0xFFFF  }
0xd3: {  	_ =	strace $0x9000004A  }
0xd4: {  	s0 =	stileid.u32;
	[bflag:$0x2] =	sbarrier.arrive $0xFFFF  }
0xd5: {  	p0 =	sne.s32 s0, $0x0;
	s0 =	rddreg [dreg:$0x4]  }
0xd6: {  	s0 =	sadd.s32 @!p0 $0x100000, s0  }
0xd7: {  	[sflag:s0] =	ssyncadd.tile.s32 @!p0 $0x1;
	_ =	shalt  }
.Lfunc_end2:
_tile_overlayer_lowered:
.L_overlay_start_2:
0xd8: {  	(tag) =	ssettag $0x2  }
0xd9: {  	s0 =	rddreg [dreg:$0x0];
	s2 =	stileid.u32  }
0xda: {  	s1 =	rddreg [dreg:$0x1];
	p0 =	sne.s32 s2, $0x0  }
0xdb: {  	s3 =	rddreg [dreg:$0x2];
	[bflag:$0x3] =	sbarrier.arrive $0xFFFF;
	s2 =	simm.s32 @!p0 $0x1C01  }
0xdc: {  	[timem:s3], [sflag:s2] =	dma.local @!p0 [hbm:s0], s1  }
0xdd: {  	s0 =	simm.s32 @!p0 $0x1  }
0xde: {  	_ =	swait.ge @!p0 [sflag:s0], s1  }
0xdf: {  	s1 =	ssub.s32 @!p0 $0x0, s1;
	[sflag:s0] =	ssyncset.done @!p0 $0x0  }
0xe0: {  	[sflag:s0] =	ssyncadd.s32 @!p0 s1  }
0xe1: {  	[bflag:$0x3] =	sbarrier.arrive $0xFFFF  }
0xe2: {  	_ =	shalt  }

// kernel: sparse-core-data-format-call.cloned.1.call-start
scs
called_computation_lowered:
.L_overlay_start_0:
0x0: {  	s1 =	sld [smem:$0x3FD9]  }
0x1: {  	s2 =	sld [smem:$0x3FFE];
	_ =	sdelay $0x1  }
0x2: {  	s3 =	srdreg.scid  }
0x3: {  	s0 =	sand.u32 $0x1, s3  }
0x4: {  	s17 =	sshll.u32 s0, $0xA;
	s1 =	sadd.s32 s2, s1  }
0x5: {  	s1 =	sadd.s32 s1, s17  }
0x6: {  	[smem:$0x3FC2] =	sst s1  }
0x7: {  	_ = 	snop  }
0x8: {  	(tm) =	ssettm $0x1  }
0x9: {  	s18 =	sld [smem:$0x3FFB];
	_ =	sdelay $0x3  }
0xa: {  	_ =	strace s18  }
0xb: {  	s1 =	sld [smem:$0x3FFC];
	_ =	sdelay $0x3  }
0xc: {  	_ =	strace s1  }
0xd: {  	s1 =	sld [smem:$0x3FFD];
	_ =	sdelay $0x3  }
0xe: {  	_ =	strace s1  }
0xf: {  	_ =	strace $0x8FFFFFFF  }
0x10: {  	s19 =	sld [smem:$0x3FDB];
	_ =	sdelay $0x1  }
0x11: {  	s20 =	simm.s32 $_scs_section_size  }
0x12: {  	s4 =	simm.s32 $_size__tile_overlayer_lowered;
	s5 =	simm.s32 $_tile_overlayer_lowered  }
0x13: {  	s23 =	simm.s32 $0x1BFF;
	s22 =	sshll.u32 s5, $0x1;
	s1 =	sadd.s32 s20, s19  }
0x14: {  	s6 =	simm.s32 $0x0;
	s21 =	sshll.u32 s4, $0x1;
	s4 =	sadd.s32 s22, s1  }
0x15: {  	[timem:s6], [sflag:s23] =	dma.local [hbm:s4], s21  }
0x16: {  	_ =	swait.ge [sflag:s23], s21  }
0x17: {  	s2 =	ssub.s32 $0x0, s21;
	[sflag:s23] =	ssyncset.done $0x0  }
0x18: {  	[sflag:s23] =	ssyncadd.s32 s2;
	_ =	sdelay $0x1  }
0x19: {  	s24 =	simm.s32 $0x1B8B  }
0x1a: {  	_ =	swait.ge [sflag:s24], $0x1  }
0x1b: {  	[sflag:s24] =	ssyncset.done $0x0  }
0x1c: {  	s26 =	simm.s32 $0x1B8E;
	s25 =	sld [smem:$0x3FFE];
	[sflag:s24] =	ssyncadd.s32 $0xFFFFFFFF  }
0x1d: {  	s27 =	simm.s32 $execute0_lowered;
	[smem:$0x3FD2] =	sst s26  }
0x1e: {  	s4 =	sshll.u32 s27, $0x1;
	_ =	strace $0x80000046;
	[dreg:$0x1] =	wrdreg $0xFFFFFFFF  }
0x1f: {  	s28 =	simm.s32 $_size_execute0_lowered;
	s1 =	sadd.s32 s1, s4;
	[dreg:$0x0] =	wrdreg $0x0  }
0x20: {  	s4 =	sshll.u32 s28, $0x1;
	[dreg:$0x2] =	wrdreg s1  }
0x21: {  	[dreg:$0x3] =	wrdreg s4  }
0x22: {  	[dreg:$0x4] =	wrdreg $0xC0  }
0x23: {  	_ =	task [dreg:s6], $0x5FFFF  }
0x24: {  	[dreg:$0x1] =	wrdreg $0xFFFFFFFF  }
0x25: {  	[dreg:$0x0] =	wrdreg $0x60  }
0x26: {  	[dreg:$0x2] =	wrdreg s25  }
0x27: {  	[dreg:$0x3] =	wrdreg $0x9  }
0x28: {  	_ =	task.clear_ibuf [dreg:s6], $0x4FFFF;
	_ =	strace $0x90000046  }
0x29: {  	s29 =	simm.s32 $0x9;
	_ =	strace $0x80000048  }
0x2a: {  	_ =	swait.ge [sflag:s29], $0x1  }
0x2b: {  	[sflag:s29] =	ssyncadd.s32 $0xFFFFFFFF  }
0x2c: {  	_ =	strace $0x90000048  }
0x2d: {  	_ =	sfence  }
0x2e: {  	s30 =	sld [smem:$0x0];
	_ =	sdelay $0x2  }
0x2f: {  	s31 =	sshll.u32 s3, $0xD;
	s3 =	sshrl.u32 s3, $0x2  }
0x30: {  	s2 =	sand.u32 $0x4000, s31;
	s1 =	sadd.s32 s3, s30  }
0x31: {  	s0 =	sor.u32 s2, s0;
	s1 =	sshll.u32 s1, $0x11  }
0x32: {  	s0 =	sor.u32 s1, s0  }
0x33: {  	s0 =	sadd.s32 $0x8F2B, s0  }
0x34: {  	[sflag:s0] =	ssyncadd.remote.s32 $0x1  }
0x35: {  	_ =	sfence.sel $0xFFFF  }
0x36: {  	[dreg:$0x0] =	wrdreg $0xFFFFFFFF;
	(pc) =	sbr.abs _section_cstart, $3  }
0x37: {  	[dreg:$0x1] =	wrdreg $0xFFFFFFFF  }
0x38: {  	_ =	task.clear_ibuf [dreg:s6], $0x2FFFF;
	_ =	strace $0x9FFFFFFF  }
0x39: {  	(tm) =	ssettm $0x7FFFFFFF  }
tec
execute0_lowered:
.L_overlay_start_1:
0x0: {  	(tag) =	ssettag $0x1  }
0x1: {  	s0 =	srdreg.scid  }
0x2: {  	s0 =	sshll.u32 s0, $0x4  }
0x3: {  	s1 =	stileid.u32;
	s2 =	rddreg [dreg:$0x0];
	s0 =	sand.u32 $0x10, s0  }
0x4: {  	_ =	strace $0x80000047;
	s3 =	simm.s32 $0x1;
	s0 =	sor.u32 s1, s0  }
0x5: {  	s29 =	simm.s32 $0x2;
	s15 =	simm.s32 $0x0;
	s5 =	sshll.u32 s0, $0xA  }
0x6: {  	s13 =	simm.s32 $0x0;
	s14 =	simm.s32 $0x0;
	s0 =	ssub.s32 $0x7BC00, s5  }
0x7: {  	s7 =	sadd.s32 $0x70A000, s2;
	s30 =	sadd.s32 $0xBDF800, s2;
	s28 =	sand.u32 $0x7C00, s0  }
0x8: {  	s31 =	sadd.s32 $0x139B800, s2;
	s1 =	simm.s32 $0x1;
	p0 =	sne.s32 s28, $0x0  }
0x9: {  	[dreg:$0x5] =	wrdreg s30;
	s0 =	sshrl.u32 s0, $0xF;
	s1 =	simm.s32 @!p0 $0x0  }
.Ltmp0:
0xa: {  	[dreg:$0x6] =	wrdreg s31;
	s0 =	sadd.s32 s1, s0;
	(pc) =	sbr.rel .LBB1_1-.Ltmp0, $4  }
0xb: {  	s10 =	simm.s32 $0x0;
	[dreg:$0x4] =	wrdreg s7;
	s6 =	smul.u32 $0x5, s0  }
0xc: {  	s11 =	simm.s32 $0x0;
	s12 =	simm.s32 $0x0;
	[dreg:$0x2] =	wrdreg s5  }
0xd: {  	[sflag:s3] =	ssyncpa.u1 $0x0;
	s8 =	sadd.s32 $0x1, s6;
	[dreg:$0x3] =	wrdreg s6  }
0xe: {  	[sflag:s29] =	ssyncpa.u1 $0x0;
	s9 =	smov.u32 s5;
	[dreg:$0x7] =	wrdreg s8  }
.LBB1_9:
0xf: {  	s0 =	sadd.s32 $0x8000, s9  }
0x10: {  	s1 =	sadd.s32 $0x8, s10;
	s2 =	smov.u32 s10;
	p1 =	sgt.s32 s0, $0x7BBFF  }
0x11: {  	s2 =	smov.u32 @p1 s1  }
0x12: {  	s3 =	sadd.s32 $0x2, s11;
	s4 =	smov.u32 s11;
	p2 =	sgt.s32 s2, $0x7  }
0x13: {  	s4 =	smov.u32 @p2 s3  }
0x14: {  	s0 =	smov.u32 @p1 s5;
	p1 =	sgt.s32 s4, $0x9  }
0x15: {  	p0 =	slt.u32 s12, $0x2;
	s4 =	simm.s32 @p1 $0x0;
	p1 =	sne.s32 s12, s8  }
.Ltmp1:
0x16: {  	s1 =	simm.s32 @!p0 $0x2;
	(pc) =	sbr.rel @!p1 .LBB1_10-.Ltmp1, $4  }
0x17: {  	s15 =	smov.u32 s9;
	_ =	swait.ge @!p0 [sflag:s1], $0x4000  }
0x18: {  	s13 =	smov.u32 s10;
	s14 =	smov.u32 s11;
	[sflag:s1] =	ssyncset.done @!p0 $0x0  }
0x19: {  	s9 =	smov.u32 s0;
	s2 =	simm.s32 @p2 $0x0;
	[sflag:s1] =	ssyncadd.s32 @!p0 $0xFFFFC000  }
0x1a: {  	s10 =	smov.u32 s2;
	s12 =	sadd.s32 $0x1, s12;
	s11 =	smov.u32 s4  }
.LBB1_1:
0x1b: {  	p0 =	sge.u32 s12, s6  }
0x1c: {  	s0 =	sshrl.u32 @!p0 s10, $0x3  }
0x1d: {  	s1 =	sshll.u32 @!p0 s9, $0x3;
	s2 =	sshll.u32 @!p0 s10, $0x7;
	s0 =	smul.u32 @!p0 $0x3DE000, s0  }
0x1e: {  	s3 =	sand.u32 @!p0 $0x7F, s9;
	s1 =	sand.u32 @!p0 $0xFFFFFC00, s1;
	s2 =	sand.u32 @!p0 $0x380, s2  }
0x1f: {  	s0 =	sadd.s32 @!p0 s0, s1;
	s1 =	sor.u32 @!p0 s3, s2  }
0x20: {  	s1 =	sor.u32 @!p0 s0, s1  }
0x21: {  	s2 =	smulhi.u32 @!p0 $0x21195767, s1  }
0x22: {  	s0 =	smulhi.u32 @!p0 $0x21195767, s0  }
0x23: {  	s2 =	sshrl.u32 @!p0 s2, $0x10  }
0x24: {  	s31 =	sadd.s32 $0xFFFFFFFF, s12;
	s0 =	sshrl.u32 @!p0 s0, $0x10;
	s2 =	smul.u32 @!p0 $0x7BC00, s2  }
0x25: {  	s4 =	smul.u32 @!p0 $0x7BC00, s11;
	s3 =	sxor.u32 @!p0 $0xFFFFFFFF, s12;
	s0 =	sand.u32 @!p0 $0x7, s0  }
0x26: {  	s3 =	sshll.u32 @!p0 s3, $0xE;
	s0 =	smul.u32 @!p0 $0xF780, s0;
	s1 =	ssub.s32 @!p0 s1, s2  }
0x27: {  	s2 =	sand.u32 @!p0 $0x4000, s3;
	s3 =	sadd.s32 @!p0 s7, s4;
	s4 =	sand.u32 @!p0 $0x7, s1  }
0x28: {  	s1 =	sshrl.u32 @!p0 s1, $0x3;
	s0 =	sadd.s32 @!p0 s0, s3;
	s3 =	sshll.u32 @!p0 s4, $0x12  }
0x29: {  	s0 =	sadd.s32 @!p0 s1, s0;
	s1 =	sor.u32 @!p0 $0x2000, s3;
	s3 =	simm.s32 @!p0 $0x3DE000  }
0x2a: {  	[tilespmem:s2], [sflag:$0x1] =	stream.strided.gather @!p0 [hbm4b:s0+s1], $0x4000, s3, s1, $0x38;
	[tilespmem:$0x11000] =	vst v63  }
0x2b: {  	p0 =	sge.u32 s31, s6  }
.Ltmp2:
0x2c: {  	_ = 	snop;
	(pc) =	sbr.rel @p0 .LBB1_9-.Ltmp2, $1  }
0x2d: {  	_ =	sdelay $0x3  }
0x2e: {  	[dreg:$0xe] =	wrdreg s15  }
0x2f: {  	[dreg:$0xd] =	wrdreg s14  }
0x30: {  	[dreg:$0xc] =	wrdreg s13  }
0x31: {  	[dreg:$0xa] =	wrdreg s11  }
0x32: {  	[dreg:$0x9] =	wrdreg s10  }
0x33: {  	[dreg:$0x8] =	wrdreg s9;
	s0 =	sand.u32 $0x1, s12  }
0x34: {  	[dreg:$0xb] =	wrdreg s12;
	s1 =	smul.u32 $0x12000, s0  }
0x35: {  	s2 =	simm.s32 $0x1;
	p1 =	por $0x1, $0x1;
	s0 =	sshll.u32 s0, $0xE  }
0x36: {  	_ =	swait.ge [sflag:s2], $0x4000;
	[dreg:$0x11] =	wrdreg s0;
	s31 =	sshrl.u32 s1, $0x2  }
0x37: {  	[sflag:s2] =	ssyncset.done $0x0;
	[dreg:$0xf] =	wrdreg s31;
	s0 =	sor.u32 $0x8000, s31  }
0x38: {  	[sflag:s2] =	ssyncadd.s32 $0xFFFFC000;
	[dreg:$0x10] =	wrdreg s0;
	s0 =	simm.s32 $0x0  }
.LBB1_3:
0x39: {  	s1 =	smul.u32 $0x9000, s0;
	s2 =	rddreg [dreg:$0x11]  }
0x3a: {  	s29 =	sshll.u32 s0, $0xD;
	s30 =	rddreg [dreg:$0x10];
	s31 =	simm.s32 $0x0  }
0x3b: {  	s2 =	sadd.s32 s29, s2;
	[dreg:$0x13] =	wrdreg s31;
	s1 =	sshra.s32 s1, $0x2  }
0x3c: {  	p0 =	por p1, p1;
	v0 =	vmov s29;
	[dreg:$0x12] =	wrdreg s2;
	s22 =	sadd.s32 s1, s30  }
.LBB1_4:
0x3d: {  	s3 =	rddreg [dreg:$0x13]  }
0x3e: {  	s1 =	rddreg [dreg:$0x12];
	s0 =	sshll.u32 s3, $0x7  }
0x3f: {  	s2 =	rddreg [dreg:$0x11];
	s25 =	simm.s32 $0x0;
	s1 =	sadd.s32 s0, s1  }
0x40: {  	p1 =	por $0x1, $0x1;
	s24 =	sadd.s32 s3, s22;
	s23 =	sadd.s32 s0, s2;
	v1 =	vmov s1  }
.LBB1_5:
0x41: {  	s0 =	smul.u32 $0x24, s25;
	s1 =	sshll.u32 s25, $0x3  }
0x42: {  	s2 =	sor.u32 $0x80, s25;
	s11 =	rddreg [dreg:$0x13];
	s14 =	sor.u32 $0x90, s25  }
0x43: {  	s4 =	sor.u32 $0xA0, s25;
	s18 =	sor.u32 $0xB0, s25;
	s30 =	sor.u32 $0xC0, s25  }
0x44: {  	s9 =	sor.u32 $0xD0, s25;
	p2 =	por p1, p1;
	s12 =	smul.u32 $0x24, s2  }
0x45: {  	s3 =	sand.u32 $0x3FFFFFF8, s1;
	s13 =	sshll.u32 s2, $0x3;
	s2 =	smul.u32 $0x24, s14  }
0x46: {  	s15 =	sshll.u32 s14, $0x3;
	s16 =	sshll.u32 s4, $0x3;
	s4 =	smul.u32 $0x24, s4  }
0x47: {  	s20 =	sshll.u32 s18, $0x3;
	s31 =	sshll.u32 s30, $0x3;
	s6 =	smul.u32 $0x24, s30  }
0x48: {  	s10 =	smul.u32 $0x24, s9;
	s14 =	sor.u32 $0xF0, s25;
	s0 =	sshra.s32 s0, $0x2  }
0x49: {  	s5 =	sadd.s32 s3, s23;
	s7 =	sand.u32 $0x3FFFFFF8, s13;
	s1 =	sand.u32 $0x1400, s15  }
0x4a: {  	s21 =	sand.u32 $0x1400, s20;
	s0 =	sadd.s32 s0, s22;
	s8 =	sadd.s32 s1, s23  }
0x4b: {  	s17 =	sshra.s32 s2, $0x2;
	s19 =	sshra.s32 s4, $0x2;
	s1 =	sand.u32 $0x1400, s31  }
0x4c: {  	s6 =	sshra.s32 s6, $0x2;
	s26 =	sadd.s32 s11, s0;
	s0 =	sshra.s32 s12, $0x2  }
0x4d: {  	s28 =	sadd.s32 s17, s24;
	s29 =	sadd.s32 s19, s24;
	s17 =	sadd.s32 s21, s23  }
0x4e: {  	s4 =	sadd.s32 s1, s23;
	s1 =	sshll.u32 s9, $0x3;
	s31 =	sadd.s32 s6, s24  }
0x4f: {  	s11 =	sor.u32 $0xE0, s25;
	s12 =	sshra.s32 s10, $0x2;
	s9 =	smul.u32 $0x24, s14  }
0x50: {  	s19 =	sor.u32 $0x100, s25;
	s27 =	sadd.s32 s0, s24;
	s0 =	sand.u32 $0x1400, s16  }
0x51: {  	v2 =	vld.idx.msk [tilespmem:v1+s3+$0x0 ss:$0x1], $0xffff;
	s13 =	sshll.u32 s11, $0x3;
	s20 =	sshll.u32 s19, $0x3;
	s2 =	sadd.s32 s0, s23  }
0x52: {  	s0 =	smul.u32 $0x24, s18;
	s6 =	sand.u32 $0x1400, s13;
	s18 =	sshra.s32 s9, $0x2  }
0x53: {  	v50 =	vld.idx.msk [tilespmem:v0+s8+$0x10 ss:$0x1], $0xffff;
	s13 =	smul.u32 $0x24, s19;
	s9 =	sadd.s32 s18, s24;
	s18 =	sor.u32 $0x120, s25  }
0x54: {  	s10 =	sadd.s32 s6, s23;
	s0 =	sshra.s32 s0, $0x2;
	s19 =	sshll.u32 s18, $0x3  }
0x55: {  	s18 =	smul.u32 $0x24, s18;
	s30 =	sadd.s32 s0, s24;
	s0 =	sand.u32 $0x1400, s1  }
0x56: {  	[tilespmem:s26+$0x0 ss:$0x9] =	vst.msk $0xffff, v2;
	v2 =	vld.idx.msk [tilespmem:v0+s5+$0x50 ss:$0x1], $0xffff;
	s1 =	sadd.s32 s12, s24;
	s12 =	sand.u32 $0x3FFFFFF8, s20;
	s20 =	sand.u32 $0x1800, s19  }
0x57: {  	s15 =	sadd.s32 s0, s23;
	s0 =	smul.u32 $0x24, s11;
	s11 =	sshll.u32 s14, $0x3  }
0x58: {  	v3 =	vld.idx.msk [tilespmem:v0+s5+$0x10 ss:$0x1], $0xffff;
	[tilespmem:s28+$0x0 ss:$0x9] =	vst.msk $0xffff, v50;
	s28 =	sor.u32 $0x180, s25;
	s18 =	sshra.s32 s18, $0x2;
	s16 =	sand.u32 $0x1400, s11  }
0x59: {  	v4 =	vld.idx.msk [tilespmem:v0+s5+$0x20 ss:$0x1], $0xffff;
	s11 =	sshra.s32 s13, $0x2;
	s14 =	sadd.s32 s16, s23;
	s16 =	sor.u32 $0x110, s25  }
0x5a: {  	v5 =	vld.idx.msk [tilespmem:v0+s5+$0x30 ss:$0x1], $0xffff;
	s0 =	sshra.s32 s0, $0x2;
	s21 =	sshll.u32 s16, $0x3;
	s16 =	smul.u32 $0x24, s16  }
0x5b: {  	s6 =	sadd.s32 s11, s24;
	[tilespmem:s26+$0x2D0 ss:$0x9] =	vst.msk $0xffff, v2;
	v2 =	vld.idx.msk [tilespmem:v0+s17+$0x30 ss:$0x1], $0xffff;
	s0 =	sadd.s32 s0, s24;
	s13 =	sand.u32 $0x1800, s21  }
0x5c: {  	v6 =	vld.idx.msk [tilespmem:v0+s5+$0x40 ss:$0x1], $0xffff;
	s21 =	sor.u32 $0x130, s25;
	s11 =	sadd.s32 s13, s23;
	s13 =	sshra.s32 s16, $0x2  }
0x5d: {  	v7 =	vld.idx.msk [tilespmem:v0+s5+$0x70 ss:$0x1], $0xffff;
	s19 =	sshll.u32 s21, $0x3;
	s3 =	sadd.s32 s13, s24;
	s13 =	sadd.s32 s20, s23  }
0x5e: {  	v49 =	vld.idx.msk [tilespmem:v1+s7+$0x0 ss:$0x1], $0xffff;
	s19 =	sand.u32 $0x1800, s19;
	s20 =	smul.u32 $0x24, s21;
	s21 =	sor.u32 $0x140, s25  }
0x5f: {  	[tilespmem:s26+$0x90 ss:$0x9] =	vst.msk $0xffff, v3;
	v3 =	vld.idx.msk [tilespmem:v0+s5+$0x60 ss:$0x1], $0xffff;
	s16 =	sadd.s32 s18, s24;
	s18 =	sadd.s32 s19, s23;
	s19 =	sshll.u32 s21, $0x3  }
0x60: {  	s21 =	smul.u32 $0x24, s21;
	[tilespmem:s30+$0x0 ss:$0x9] =	vst.msk $0xffff, v2;
	s30 =	sshll.u32 s28, $0x3;
	v55 =	vld.idx.msk [tilespmem:v0+s13+$0x20 ss:$0x1], $0xffff;
	s13 =	sor.u32 $0x1B0, s25  }
0x61: {  	[tilespmem:s26+$0x120 ss:$0x9] =	vst.msk $0xffff, v4;
	v2 =	vld.idx.msk [tilespmem:v1+s12+$0x0 ss:$0x1], $0xffff;
	s20 =	sshra.s32 s20, $0x2;
	s19 =	sand.u32 $0x1800, s19;
	s12 =	sand.u32 $0x3FFFFFF8, s30  }
0x62: {  	[tilespmem:s26+$0x1B0 ss:$0x9] =	vst.msk $0xffff, v5;
	v56 =	vld.idx.msk [tilespmem:v0+s18+$0x30 ss:$0x1], $0xffff;
	s18 =	sshll.u32 s13, $0x3;
	s7 =	sadd.s32 s19, s23;
	s19 =	sor.u32 $0x150, s25  }
0x63: {  	v51 =	vld.idx.msk [tilespmem:v0+s2+$0x20 ss:$0x1], $0xffff;
	[tilespmem:s26+$0x240 ss:$0x9] =	vst.msk $0xffff, v6;
	s5 =	sadd.s32 s20, s24;
	s20 =	sshra.s32 s21, $0x2;
	s21 =	sshll.u32 s19, $0x3  }
0x64: {  	[tilespmem:s26+$0x360 ss:$0x9] =	vst.msk $0xffff, v3;
	v3 =	vld.idx.msk [tilespmem:v0+s4+$0x40 ss:$0x1], $0xffff;
	s19 =	smul.u32 $0x24, s19;
	s2 =	sadd.s32 s20, s24;
	s20 =	sor.u32 $0x160, s25  }
0x65: {  	[tilespmem:s26+$0x3F0 ss:$0x9] =	vst.msk $0xffff, v7;
	v59 =	vld.idx.msk [tilespmem:v1+s12+$0x0 ss:$0x1], $0xffff;
	s12 =	sor.u32 $0x1F0, s25;
	s21 =	sand.u32 $0x1800, s21;
	s26 =	smul.u32 $0x24, s20  }
0x66: {  	s8 =	sadd.s32 s21, s23;
	s17 =	sshra.s32 s19, $0x2;
	s21 =	sshll.u32 s20, $0x3  }
0x67: {  	v52 =	vld.idx.msk [tilespmem:v0+s15+$0x50 ss:$0x1], $0xffff;
	s20 =	sor.u32 $0x170, s25;
	[tilespmem:s6+$0x0 ss:$0x9] =	vst.msk $0xffff, v2;
	s6 =	sand.u32 $0x1C00, s18;
	s21 =	sand.u32 $0x1800, s21  }
0x68: {  	[tilespmem:s27+$0x0 ss:$0x9] =	vst.msk $0xffff, v49;
	v54 =	vld.idx.msk [tilespmem:v0+s14+$0x70 ss:$0x1], $0xffff;
	s15 =	sadd.s32 s17, s24;
	s26 =	sshra.s32 s26, $0x2;
	s27 =	smul.u32 $0x24, s20  }
0x69: {  	v53 =	vld.idx.msk [tilespmem:v0+s10+$0x60 ss:$0x1], $0xffff;
	s6 =	sadd.s32 s6, s23;
	s4 =	sadd.s32 s21, s23;
	s21 =	sshll.u32 s20, $0x3  }
0x6a: {  	[tilespmem:s31+$0x0 ss:$0x9] =	vst.msk $0xffff, v3;
	v3 =	vld.idx.msk [tilespmem:v0+s11+$0x10 ss:$0x1], $0xffff;
	s10 =	sadd.s32 s26, s24;
	s20 =	sor.u32 $0x190, s25;
	s17 =	sand.u32 $0x1800, s21  }
0x6b: {  	[tilespmem:s29+$0x0 ss:$0x9] =	vst.msk $0xffff, v51;
	s29 =	sshra.s32 s27, $0x2;
	s26 =	sshll.u32 s20, $0x3;
	s27 =	smul.u32 $0x24, s20  }
0x6c: {  	[tilespmem:s1+$0x0 ss:$0x9] =	vst.msk $0xffff, v52;
	s20 =	sor.u32 $0x1C0, s25;
	s14 =	sadd.s32 s17, s23;
	s17 =	smul.u32 $0x24, s28  }
0x6d: {  	[tilespmem:s9+$0x0 ss:$0x9] =	vst.msk $0xffff, v54;
	v57 =	vld.idx.msk [tilespmem:v0+s7+$0x40 ss:$0x1], $0xffff;
	s11 =	sadd.s32 s29, s24;
	s28 =	sand.u32 $0x1C00, s26;
	s29 =	sor.u32 $0x1A0, s25  }
0x6e: {  	[tilespmem:s16+$0x0 ss:$0x9] =	vst.msk $0xffff, v55;
	v2 =	vld.idx.msk [tilespmem:v0+s8+$0x50 ss:$0x1], $0xffff;
	s26 =	sshll.u32 s20, $0x3;
	s16 =	smul.u32 $0x24, s20;
	s1 =	sadd.s32 s28, s23  }
0x6f: {  	[tilespmem:s3+$0x0 ss:$0x9] =	vst.msk $0xffff, v3;
	v3 =	vld.idx.msk [tilespmem:v0+s4+$0x60 ss:$0x1], $0xffff;
	s30 =	sshra.s32 s27, $0x2;
	s31 =	sshll.u32 s29, $0x3;
	s9 =	smul.u32 $0x24, s29  }
0x70: {  	[tilespmem:s0+$0x0 ss:$0x9] =	vst.msk $0xffff, v53;
	s27 =	smul.u32 $0x24, s13;
	s28 =	sand.u32 $0x1C00, s26;
	s29 =	sor.u32 $0x1D0, s25  }
0x71: {  	[tilespmem:s5+$0x0 ss:$0x9] =	vst.msk $0xffff, v56;
	v58 =	vld.idx.msk [tilespmem:v0+s14+$0x70 ss:$0x1], $0xffff;
	s26 =	smul.u32 $0x24, s12;
	s21 =	sshra.s32 s17, $0x2;
	s8 =	sand.u32 $0x1C00, s31  }
0x72: {  	[tilespmem:s2+$0x0 ss:$0x9] =	vst.msk $0xffff, v57;
	s3 =	sadd.s32 s30, s24;
	v60 =	vld.idx.msk [tilespmem:v0+s1+$0x10 ss:$0x1], $0xffff;
	s2 =	sadd.s32 s28, s23;
	s17 =	sadd.s32 s8, s23  }
0x73: {  	[tilespmem:s15+$0x0 ss:$0x9] =	vst.msk $0xffff, v2;
	s30 =	sshll.u32 s29, $0x3;
	s31 =	sor.u32 $0x1E0, s25;
	s15 =	sshll.u32 s12, $0x3;
	v2 =	vld.idx.msk [tilespmem:v0+s17+$0x20 ss:$0x1], $0xffff  }
0x74: {  	s0 =	sadd.s32 s21, s24;
	s4 =	sand.u32 $0x1C00, s30;
	v61 =	vld.idx.msk [tilespmem:v0+s2+$0x40 ss:$0x1], $0xffff;
	[tilespmem:s10+$0x0 ss:$0x9] =	vst.msk $0xffff, v3;
	s10 =	sshll.u32 s31, $0x3  }
0x75: {  	s19 =	sshra.s32 s9, $0x2;
	v3 =	vld.idx.msk [tilespmem:v0+s6+$0x30 ss:$0x1], $0xffff;
	s13 =	sadd.s32 s4, s23;
	[tilespmem:s0+$0x0 ss:$0x9] =	vst.msk $0xffff, v59;
	s14 =	sand.u32 $0x1C00, s10  }
0x76: {  	s18 =	sand.u32 $0x1C00, s15;
	s21 =	sadd.s32 s19, s24;
	v62 =	vld.idx.msk [tilespmem:v0+s13+$0x50 ss:$0x1], $0xffff;
	[tilespmem:s11+$0x0 ss:$0x9] =	vst.msk $0xffff, v58;
	s17 =	sadd.s32 s14, s23  }
0x77: {  	s19 =	smul.u32 $0x24, s29;
	s20 =	sadd.s32 s18, s23;
	s0 =	sshra.s32 s16, $0x2;
	[tilespmem:s3+$0x0 ss:$0x9] =	vst.msk $0xffff, v60;
	v63 =	vld.idx.msk [tilespmem:v0+s17+$0x60 ss:$0x1], $0xffff  }
0x78: {  	s1 =	sshra.s32 s27, $0x2;
	s0 =	sadd.s32 s0, s24;
	[tilespmem:s21+$0x0 ss:$0x9] =	vst.msk $0xffff, v2;
	v2 =	vld.idx.msk [tilespmem:v0+s20+$0x70 ss:$0x1], $0xffff;
	s21 =	smul.u32 $0x24, s31  }
.Ltmp3:
0x79: {  	s1 =	sadd.s32 s1, s24;
	s25 =	sshra.s32 s19, $0x2;
	[tilespmem:s0+$0x0 ss:$0x9] =	vst.msk $0xffff, v61;
	(pc) =	sbr.rel @p2 .LBB1_5-.Ltmp3, $4  }
0x7a: {  	s27 =	sadd.s32 s25, s24;
	[tilespmem:s1+$0x0 ss:$0x9] =	vst.msk $0xffff, v3;
	s28 =	sshra.s32 s21, $0x2  }
0x7b: {  	s30 =	sshra.s32 s26, $0x2;
	[tilespmem:s27+$0x0 ss:$0x9] =	vst.msk $0xffff, v62;
	s29 =	sadd.s32 s28, s24  }
0x7c: {  	s31 =	sadd.s32 s30, s24;
	[tilespmem:s29+$0x0 ss:$0x9] =	vst.msk $0xffff, v63  }
0x7d: {  	p1 =	por $0x0, $0x0;
	s25 =	simm.s32 $0x200;
	[tilespmem:s31+$0x0 ss:$0x9] =	vst.msk $0xffff, v2  }
0x7e: {  	s0 =	rddreg [dreg:$0x13]  }
0x7f: {  	s0 =	sadd.s32 $0x1, s0  }
0x80: {  	p1 =	sne.s32 s0, $0x8  }
.Ltmp4:
0x81: {  	_ = 	snop;
	(pc) =	sbr.rel @p1 .LBB1_4-.Ltmp4, $2  }
0x82: {  	_ =	sdelay $0x2  }
0x83: {  	[dreg:$0x13] =	wrdreg s0  }
.Ltmp5:
0x84: {  	(pc) =	sbr.rel @p0 .LBB1_3-.Ltmp5, $2  }
0x85: {  	_ =	sdelay $0x2  }
0x86: {  	s0 =	simm.s32 $0x1;
	p1 =	por $0x0, $0x0  }
0x87: {  	s0 =	rddreg [dreg:$0xe]  }
0x88: {  	s4 =	rddreg [dreg:$0xc]  }
0x89: {  	s27 =	rddreg [dreg:$0xd];
	s0 =	sshll.u32 s0, $0x7;
	s1 =	sshll.u32 s4, $0x3  }
0x8a: {  	s5 =	rddreg [dreg:$0x5];
	s2 =	sand.u32 $0xFFFFFC00, s0;
	s1 =	sand.u32 $0xFFFFFC00, s1  }
0x8b: {  	s6 =	rddreg [dreg:$0x10];
	s0 =	sand.u32 $0x380, s0;
	s1 =	sadd.s32 s1, s2  }
0x8c: {  	s30 =	rddreg [dreg:$0x6];
	s0 =	sor.u32 s0, s1  }
0x8d: {  	s31 =	rddreg [dreg:$0xf];
	s0 =	sshrl.u32 s0, $0x7  }
0x8e: {  	s7 =	rddreg [dreg:$0x4];
	s26 =	smulhi.u32 $0x2119577, s0  }
0x8f: {  	s8 =	rddreg [dreg:$0x7]  }
0x90: {  	s9 =	rddreg [dreg:$0x8];
	s1 =	sshrl.u32 s26, $0xC  }
0x91: {  	s10 =	rddreg [dreg:$0x9];
	s1 =	smul.u32 $0x7BC00, s1  }
0x92: {  	s29 =	simm.s32 $0x80;
	s11 =	rddreg [dreg:$0xa];
	s28 =	sshrl.u32 s4, $0x3  }
0x93: {  	s4 =	sand.u32 $0x7, s4;
	s0 =	ssub.s32 s0, s1;
	s1 =	smul.u32 $0x7BC000, s27  }
0x94: {  	s12 =	rddreg [dreg:$0xb];
	s4 =	sshll.u32 s4, $0x12;
	s0 =	sshll.u32 s0, $0x4  }
0x95: {  	s2 =	sand.u32 $0xF, s28;
	s4 =	sor.u32 $0x8, s4;
	s3 =	sadd.s32 s1, s0  }
.Ltmp6:
0x96: {  	s1 =	sadd.s32 s1, s30;
	s3 =	sadd.s32 s5, s3;
	(pc) =	sbr.rel .LBB1_9-.Ltmp6, $4  }
0x97: {  	s1 =	sadd.s32 s2, s1;
	s5 =	rddreg [dreg:$0x2];
	s3 =	sadd.s32 s2, s3  }
0x98: {  	[hbm4b:s3+s4] =	stream.strided.scatter [tilespmem:s6], [sflag:$0x2], $0x2000, s29, s4, $0x0;
	[tilespmem:$0x11000] =	vst v63  }
0x99: {  	s2 =	sadd.s32 $0xA400, s31;
	s0 =	sadd.s32 s0, s1;
	s6 =	rddreg [dreg:$0x3]  }
0x9a: {  	[hbm4b:s0+s4] =	stream.strided.scatter [tilespmem:s2], [sflag:$0x2], $0x2000, s29, s4, $0x0;
	[tilespmem:$0x11000] =	vst v63  }
.LBB1_10:
0x9b: {  	_ =	sfence.sel $0x180000  }
0x9c: {  	s0 =	simm.s32 $0x1;
	[bflag:$0x0] =	sbarrier.arrive $0xFFFF  }
0x9d: {  	s30 =	simm.s32 $0x2;
	[sflag:s0] =	ssyncpa.u1 $0x1  }
0x9e: {  	[sflag:s30] =	ssyncpa.u1 $0x1  }
0x9f: {  	_ =	strace $0x90000047  }
0xa0: {  	s31 =	stileid.u32;
	[bflag:$0x2] =	sbarrier.arrive $0xFFFF  }
0xa1: {  	p0 =	sne.s32 s31, $0x0;
	s0 =	rddreg [dreg:$0x1]  }
0xa2: {  	s0 =	sadd.s32 @!p0 $0x100000, s0  }
0xa3: {  	[sflag:s0] =	ssyncadd.tile.s32 @!p0 $0x1;
	_ =	shalt  }
.Lfunc_end1:
_tile_overlayer_lowered:
.L_overlay_start_2:
0xa4: {  	(tag) =	ssettag $0x2  }
0xa5: {  	s0 =	rddreg [dreg:$0x0];
	s2 =	stileid.u32  }
0xa6: {  	s1 =	rddreg [dreg:$0x1];
	p0 =	sne.s32 s2, $0x0  }
0xa7: {  	s3 =	rddreg [dreg:$0x2];
	[bflag:$0x3] =	sbarrier.arrive $0xFFFF;
	s2 =	simm.s32 @!p0 $0x1C01  }
0xa8: {  	[timem:s3], [sflag:s2] =	dma.local @!p0 [hbm:s0], s1  }
0xa9: {  	s0 =	simm.s32 @!p0 $0x1  }
0xaa: {  	_ =	swait.ge @!p0 [sflag:s0], s1  }
0xab: {  	s1 =	ssub.s32 @!p0 $0x0, s1;
	[sflag:s0] =	ssyncset.done @!p0 $0x0  }
0xac: {  	[sflag:s0] =	ssyncadd.s32 @!p0 s1  }
0xad: {  	[bflag:$0x3] =	sbarrier.arrive $0xFFFF  }
0xae: {  	_ =	shalt  }

</sc_bundles>
